<compile_context>
chip_gen: v7x
topology: tpu7x:2x2x1
jax: 0.10.2.dev20260603
libtpu: 0.0.44.dev20260713+nightly
codegen_flags: <defaults>
</compile_context>

<pallas_src>
import functools

import jax
import jax.numpy as jnp
from jax import lax
from jax.experimental import pallas as pl
from jax.experimental.pallas import tpu as pltpu
from jax.experimental.pallas import tpu_sc as plsc

N = 10000
FEAT = 128
STATE = 16
H = 128
HID = 32
MSG = 144
NW = 32
CHUNK = 128
N_PAD = 10240

f32 = jnp.float32
bf16 = jnp.bfloat16


def _b(x):
    return x.astype(bf16)



def _tables_body(x_ref, w1x_ref, a_ref, *, relu_x):
    x = x_ref[...]
    if relu_x:
        x = jnp.maximum(x, 0.0)
    a_ref[...] = jnp.dot(_b(x), w1x_ref[...], preferred_element_type=f32)


def _tables_call(x_p, w1x, relu_x):
    blk = 2560
    grid = (N_PAD // blk,)
    return pl.pallas_call(
        functools.partial(_tables_body, relu_x=relu_x),
        grid=grid,
        in_specs=[
            pl.BlockSpec((blk, FEAT), lambda i: (i, 0)),
            pl.BlockSpec((FEAT, HID), lambda i: (0, 0)),
        ],
        out_specs=pl.BlockSpec((blk, HID), lambda i: (i, 0)),
        out_shape=jax.ShapeDtypeStruct((N_PAD, HID), f32),
    )(x_p, _b(w1x))


def _edge_mlp_body(ax_ref, ss_ref, sd_ref, w1s_ref, b1_ref, w2_ref, b2_ref,
                   w3_ref, out_ref):
    sdiff = ss_ref[...] - sd_ref[...]
    h1 = jnp.maximum(
        ax_ref[...]
        + jnp.dot(_b(sdiff), w1s_ref[...], preferred_element_type=f32)
        + b1_ref[...], 0.0)
    h2 = jnp.maximum(
        jnp.dot(_b(h1), w2_ref[...], preferred_element_type=f32)
        + b2_ref[...], 0.0)
    msg = jnp.dot(_b(h2), w3_ref[...], preferred_element_type=f32)
    lane = lax.broadcasted_iota(jnp.int32, (msg.shape[0], MSG - FEAT), 1)
    tail = jnp.where(lane == 0, 1.0, 0.0)
    out_ref[...] = jnp.concatenate([msg, tail], axis=1)


def _edge_mlp_call(g1, g2, g3, w1s, b1p, w2p, b2p, w3p):
    e_pad = g1.shape[0]
    blk = 4096
    grid = (e_pad // blk,)
    return pl.pallas_call(
        _edge_mlp_body,
        grid=grid,
        in_specs=[
            pl.BlockSpec((blk, HID), lambda i: (i, 0)),
            pl.BlockSpec((blk, STATE), lambda i: (i, 0)),
            pl.BlockSpec((blk, STATE), lambda i: (i, 0)),
            pl.BlockSpec((STATE, HID), lambda i: (0, 0)),
            pl.BlockSpec((1, HID), lambda i: (0, 0)),
            pl.BlockSpec((HID, HID), lambda i: (0, 0)),
            pl.BlockSpec((1, HID), lambda i: (0, 0)),
            pl.BlockSpec((HID, FEAT), lambda i: (0, 0)),
        ],
        out_specs=pl.BlockSpec((blk, MSG), lambda i: (i, 0)),
        out_shape=jax.ShapeDtypeStruct((e_pad, MSG), f32),
    )(g1, g2, g3, _b(w1s), b1p, _b(w2p), b2p, _b(w3p))


def _pre_body(s0_ref, s1_ref, x_ref, b3_ref, wta_ref, wtx_ref, b0_ref,
              pre_ref, *, relu_x):
    s = s0_ref[...] + s1_ref[...]
    cnt = s[:, FEAT:FEAT + 1]
    summ = s[:, :FEAT] + b3_ref[...] * cnt
    aggr = summ / jnp.maximum(cnt, 1.0)
    x = x_ref[...]
    if relu_x:
        x = jnp.maximum(x, 0.0)
    pre_ref[...] = (jnp.dot(_b(aggr), wta_ref[...], preferred_element_type=f32)
                    + jnp.dot(_b(x), wtx_ref[...], preferred_element_type=f32)
                    + b0_ref[...])


def _pre_call(s0, s1, x, b3p, wta, wtx, b0s, relu_x):
    blk = 2000
    grid = (N // blk,)
    return pl.pallas_call(
        functools.partial(_pre_body, relu_x=relu_x),
        grid=grid,
        in_specs=[
            pl.BlockSpec((blk, MSG), lambda i: (i, 0)),
            pl.BlockSpec((blk, MSG), lambda i: (i, 0)),
            pl.BlockSpec((blk, FEAT), lambda i: (i, 0)),
            pl.BlockSpec((1, FEAT), lambda i: (0, 0)),
            pl.BlockSpec((FEAT, 4 * H), lambda i: (0, 0)),
            pl.BlockSpec((FEAT, 4 * H), lambda i: (0, 0)),
            pl.BlockSpec((1, 4 * H), lambda i: (0, 0)),
        ],
        out_specs=pl.BlockSpec((blk, 4 * H), lambda i: (i, 0)),
        out_shape=jax.ShapeDtypeStruct((N, 4 * H), f32),
    )(s0, s1, x, b3p, _b(wta), _b(wtx), b0s)


def _scan_body(pre_ref, w01_ref, wh1_ref, b1_ref, out_ref,
               h0s, c0s, h1s, c1s, *, rows):
    @pl.when(pl.program_id(0) == 0)
    def _init():
        z = jnp.zeros((8, H), f32)
        h0s[...] = z
        c0s[...] = z
        h1s[...] = z
        c1s[...] = z

    b1 = b1_ref[...]

    def step(t, carry):
        h0, c0, h1, c1 = carry
        tt = jnp.minimum(t, rows - 1)
        p = pre_ref[pl.ds(tt, 1), :]
        z01 = jnp.dot(_b(h0), w01_ref[...], preferred_element_type=f32)
        zh1 = jnp.dot(_b(h1), wh1_ref[...], preferred_element_type=f32)
        g0 = p + z01[:, :4 * H]
        g1 = z01[:, 4 * H:] + zh1 + b1
        c0n = (jax.nn.sigmoid(g0[:, H:2 * H]) * c0
               + jax.nn.sigmoid(g0[:, :H]) * jnp.tanh(g0[:, 2 * H:3 * H]))
        h0n = jax.nn.sigmoid(g0[:, 3 * H:]) * jnp.tanh(c0n)
        c1n = (jax.nn.sigmoid(g1[:, H:2 * H]) * c1
               + jax.nn.sigmoid(g1[:, :H]) * jnp.tanh(g1[:, 2 * H:3 * H]))
        h1n = jax.nn.sigmoid(g1[:, 3 * H:]) * jnp.tanh(c1n)

        @pl.when(t > 0)
        def _store():
            out_ref[pl.ds(t - 1, 1), :] = h1n

        lead = t < rows
        trail = t > 0
        h0 = jnp.where(lead, h0n, h0)
        c0 = jnp.where(lead, c0n, c0)
        h1 = jnp.where(trail, h1n, h1)
        c1 = jnp.where(trail, c1n, c1)
        return (h0, c0, h1, c1)

    carry = (h0s[0:1, :], c0s[0:1, :], h1s[0:1, :], c1s[0:1, :])
    h0, c0, h1, c1 = lax.fori_loop(0, rows + 1, step, carry, unroll=2)
    h0s[0:1, :] = h0
    c0s[0:1, :] = c0
    h1s[0:1, :] = h1
    c1s[0:1, :] = c1


def _scan_call(pre0, wh0, wi1, wh1, b1s):
    blk = 1000
    grid = (N // blk,)
    w01 = _b(jnp.concatenate([wh0, wi1], axis=1))
    return pl.pallas_call(
        functools.partial(_scan_body, rows=blk),
        grid=grid,
        in_specs=[
            pl.BlockSpec((blk, 4 * H), lambda i: (i, 0)),
            pl.BlockSpec((H, 8 * H), lambda i: (0, 0)),
            pl.BlockSpec((H, 4 * H), lambda i: (0, 0)),
            pl.BlockSpec((1, 4 * H), lambda i: (0, 0)),
        ],
        out_specs=pl.BlockSpec((blk, H), lambda i: (i, 0)),
        out_shape=jax.ShapeDtypeStruct((N, H), f32),
        scratch_shapes=[pltpu.VMEM((8, H), f32) for _ in range(4)],
    )(pre0, w01, _b(wh1), b1s)


def _head_body(x_ref, w_ref, b_ref, out_ref):
    x = jnp.maximum(x_ref[...], 0.0)
    out_ref[...] = (jnp.dot(_b(x), w_ref[...], preferred_element_type=f32)
                    + b_ref[...])


def _head_call(x, wp, bp):
    blk = 2000
    grid = (N // blk,)
    return pl.pallas_call(
        _head_body,
        grid=grid,
        in_specs=[
            pl.BlockSpec((blk, FEAT), lambda i: (i, 0)),
            pl.BlockSpec((FEAT, FEAT), lambda i: (0, 0)),
            pl.BlockSpec((1, FEAT), lambda i: (0, 0)),
        ],
        out_specs=pl.BlockSpec((blk, FEAT), lambda i: (i, 0)),
        out_shape=jax.ShapeDtypeStruct((N, FEAT), f32),
    )(x, _b(wp), bp)



def _make_gather(e_pad, nch):
    mesh = plsc.VectorSubcoreMesh(core_axis_name="c", subcore_axis_name="s")

    @functools.partial(
        pl.kernel,
        mesh=mesh,
        out_type=[
            jax.ShapeDtypeStruct((e_pad, HID), f32),
            jax.ShapeDtypeStruct((e_pad, STATE), f32),
            jax.ShapeDtypeStruct((e_pad, STATE), f32),
        ],
        scratch_types=[
            pltpu.VMEM((nch, CHUNK), jnp.int32),
            pltpu.VMEM((nch, CHUNK), jnp.int32),
            pltpu.VMEM((CHUNK, HID), f32),
            pltpu.VMEM((CHUNK, STATE), f32),
            pltpu.VMEM((CHUNK, STATE), f32),
            pltpu.SemaphoreType.DMA,
            pltpu.SemaphoreType.DMA,
            pltpu.SemaphoreType.DMA,
        ],
        compiler_params=pltpu.CompilerParams(use_tc_tiling_on_sc=False),
    )
    def gather_k(a_hbm, st_hbm, src_hbm, dst_hbm, g1_hbm, g2_hbm, g3_hbm,
                 sidx, didx, r1, r2, r3, sem1, sem2, sem3):
        wid = lax.axis_index("s") * 2 + lax.axis_index("c")
        pltpu.sync_copy(src_hbm.at[wid], sidx)
        pltpu.sync_copy(dst_hbm.at[wid], didx)
        base = wid * (nch * CHUNK)

        def body(j, carry):
            cp1 = pltpu.async_copy(a_hbm.at[sidx.at[j]], r1, sem1)
            cp2 = pltpu.async_copy(st_hbm.at[sidx.at[j]], r2, sem2)
            cp3 = pltpu.async_copy(st_hbm.at[didx.at[j]], r3, sem3)
            cp1.wait()
            cp2.wait()
            cp3.wait()
            pltpu.sync_copy(r1, g1_hbm.at[pl.ds(base + j * CHUNK, CHUNK)])
            pltpu.sync_copy(r2, g2_hbm.at[pl.ds(base + j * CHUNK, CHUNK)])
            pltpu.sync_copy(r3, g3_hbm.at[pl.ds(base + j * CHUNK, CHUNK)])
            return carry

        lax.fori_loop(0, nch, body, 0)

    return gather_k


def _make_scatter(nch):
    mesh = plsc.VectorSubcoreMesh(core_axis_name="c", subcore_axis_name="s")
    rows_t = N_PAD // 16

    @functools.partial(
        pl.kernel,
        mesh=mesh,
        out_type=jax.ShapeDtypeStruct((2, N_PAD, MSG), f32),
        scratch_types=[
            pltpu.VMEM((nch, CHUNK), jnp.int32),
            pltpu.VMEM((CHUNK, MSG), f32),
            pltpu.VMEM_SHARED((N_PAD, MSG), f32),
        ],
        compiler_params=pltpu.CompilerParams(use_tc_tiling_on_sc=False),
    )
    def scatter_k(h2_hbm, dst_hbm, zero_hbm, out_hbm, didx, dat, acc):
        cid = lax.axis_index("c")
        sid = lax.axis_index("s")
        wid = sid * 2 + cid
        pltpu.sync_copy(zero_hbm.at[pl.ds(sid * rows_t, rows_t)],
                        acc.at[pl.ds(sid * rows_t, rows_t)])
        pltpu.sync_copy(dst_hbm.at[wid], didx)
        plsc.subcore_barrier()
        base = wid * (nch * CHUNK)

        def body(j, carry):
            pltpu.sync_copy(h2_hbm.at[pl.ds(base + j * CHUNK, CHUNK)], dat)
            pltpu.sync_copy(dat, acc.at[didx.at[j]], add=True)
            return carry

        lax.fori_loop(0, nch, body, 0)
        plsc.subcore_barrier()
        pltpu.sync_copy(acc.at[pl.ds(sid * rows_t, rows_t)],
                        out_hbm.at[cid, pl.ds(sid * rows_t, rows_t)])

    return scatter_k



def kernel(states, edge_index, x_init, phi_W1, phi_b1, phi_W2, phi_b2, phi_W3,
           phi_b3, lstm_Wih0, lstm_Whh0, lstm_bih0, lstm_bhh0,
           lstm_Wih1, lstm_Whh1, lstm_bih1, lstm_bhh1, out_W, out_b):
    e = edge_index.shape[1]
    nch = -(-e // (NW * CHUNK))
    e_pad = NW * nch * CHUNK

    pad_idx = jnp.full((e_pad - e,), N, jnp.int32)
    srcw = jnp.concatenate([edge_index[0], pad_idx]).reshape(NW, nch, CHUNK)
    dstw = jnp.concatenate([edge_index[1], pad_idx]).reshape(NW, nch, CHUNK)
    zeros_tab = jnp.zeros((N_PAD, MSG), f32)
    states_p = jnp.pad(states, ((0, N_PAD - N), (0, 0)))

    gather_k = _make_gather(e_pad, nch)
    scatter_k = _make_scatter(nch)

    x = x_init
    for l in range(2):
        relu_x = (l == 1)
        w1 = phi_W1[l]
        w1x = jnp.pad(w1[:FEAT], ((0, 0), (0, HID - 20)))
        w1s = jnp.pad(w1[FEAT:], ((0, 0), (0, HID - 20)))
        b1p = jnp.pad(phi_b1[l], (0, HID - 20)).reshape(1, HID)
        w2p = jnp.pad(phi_W2[l], ((0, HID - 20), (0, HID - 20)))
        b2p = jnp.pad(phi_b2[l], (0, HID - 20)).reshape(1, HID)
        w3p = jnp.pad(phi_W3[l], ((0, HID - 20), (0, 0)))
        b3p = phi_b3[l].reshape(1, FEAT)
        wih0t = lstm_Wih0[l].T
        wta = wih0t[:FEAT]
        wtx = wih0t[FEAT:]
        b0s = (lstm_bih0[l] + lstm_bhh0[l]).reshape(1, 4 * H)
        wh0 = lstm_Whh0[l].T
        wi1 = lstm_Wih1[l].T
        wh1 = lstm_Whh1[l].T
        b1s = (lstm_bih1[l] + lstm_bhh1[l]).reshape(1, 4 * H)

        x_p = jnp.pad(x, ((0, N_PAD - N), (0, 0)))
        a_t = _tables_call(x_p, w1x, relu_x)
        g1, g2, g3 = gather_k(a_t, states_p, srcw, dstw)
        h2 = _edge_mlp_call(g1, g2, g3, w1s, b1p, w2p, b2p, w3p)
        s2 = scatter_k(h2, dstw, zeros_tab)
        pre0 = _pre_call(s2[0, :N], s2[1, :N], x, b3p, wta, wtx, b0s, relu_x)
        x = _scan_call(pre0, wh0, wi1, wh1, b1s)

    wp = jnp.pad(out_W, ((0, 0), (0, FEAT - 1)))
    bp = jnp.broadcast_to(out_b.reshape(1, 1), (1, FEAT))
    y = _head_call(x, wp, bp)
    return y[:, :1]

# --- scband reference (transcript-rebuilt; emitter-appended) ---
"""Pipeline reference for scband-gnn-60816736911411 (READ-ONLY COPY).

The authoritative reference and input builder live on the scoring server;
editing this copy changes nothing except your own understanding.
"""

import jax, jax.numpy as jnp
import numpy as np

N = 10000
E = 320000
FEAT = 128
PHI = 128
STATE = 16
H = 128


def _mlp(x, W1, b1, W2, b2, W3, b3):
    h = jax.nn.relu(x @ W1 + b1)
    h = jax.nn.relu(h @ W2 + b2)
    return h @ W3 + b3


def _lstm_layer(x_seq, Wih, Whh, bih, bhh):
    Hh = Wih.shape[0] // 4
    def step(carry, x_t):
        h, c = carry
        g = x_t @ Wih.T + bih + h @ Whh.T + bhh
        i, f, gg, o = jnp.split(g, 4)
        c = jax.nn.sigmoid(f) * c + jax.nn.sigmoid(i) * jnp.tanh(gg)
        h = jax.nn.sigmoid(o) * jnp.tanh(c)
        return (h, c), h
    h0 = jnp.zeros((Hh,), x_seq.dtype)
    (_, _), ys = jax.lax.scan(step, (h0, h0), x_seq)
    return ys


def _gnn_layer(x, states, edge_index, p):
    src, dst = edge_index[0], edge_index[1]
    # message: phi(cat([x_j, states_j - states_i]))
    info = jnp.concatenate([x[src], states[src] - states[dst]], axis=1)
    msg = _mlp(info, p['W1'], p['b1'], p['W2'], p['b2'], p['W3'], p['b3'])
    # aggr='mean' scatter over dst nodes
    summ = jax.ops.segment_sum(msg, dst, num_segments=x.shape[0])
    cnt = jax.ops.segment_sum(jnp.ones((dst.shape[0],), x.dtype), dst, num_segments=x.shape[0])
    aggr = summ / jnp.clip(cnt, 1.0)[:, None]
    # update: gamma(cat([aggr_out, x])) -- 2-layer LSTM over the node axis (unbatched torch LSTM semantics); output sequence is taken
    gin = jnp.concatenate([aggr, x], axis=1)
    h = _lstm_layer(gin, p['Wih0'], p['Whh0'], p['bih0'], p['bhh0'])
    h = _lstm_layer(h, p['Wih1'], p['Whh1'], p['bih1'], p['bhh1'])
    return h


def setup_inputs(seed: int = 0):
    key = jax.random.key(seed)
    ks = [jax.random.fold_in(key, i) for i in range(40)]
    s = 0.1
    inp = {}
    inp['states'] = jax.random.normal(ks[0], (N, STATE), jnp.float32)
    inp['edge_index'] = jax.random.randint(ks[1], (2, E), 0, N, jnp.int32)
    inp['x_init'] = jnp.ones((N, FEAT), jnp.float32)
    inp['phi_W1'] = jax.random.normal(ks[2], (2, FEAT + STATE, 20), jnp.float32) * s
    inp['phi_b1'] = jnp.zeros((2, 20), jnp.float32)
    inp['phi_W2'] = jax.random.normal(ks[3], (2, 20, 20), jnp.float32) * s
    inp['phi_b2'] = jnp.zeros((2, 20), jnp.float32)
    inp['phi_W3'] = jax.random.normal(ks[4], (2, 20, PHI), jnp.float32) * s
    inp['phi_b3'] = jnp.zeros((2, PHI), jnp.float32)
    inp['lstm_Wih0'] = jax.random.normal(ks[5], (2, 4 * H, PHI + FEAT), jnp.float32) * s
    inp['lstm_Whh0'] = jax.random.normal(ks[6], (2, 4 * H, H), jnp.float32) * s
    inp['lstm_bih0'] = jnp.zeros((2, 4 * H), jnp.float32)
    inp['lstm_bhh0'] = jnp.zeros((2, 4 * H), jnp.float32)
    inp['lstm_Wih1'] = jax.random.normal(ks[7], (2, 4 * H, H), jnp.float32) * s
    inp['lstm_Whh1'] = jax.random.normal(ks[8], (2, 4 * H, H), jnp.float32) * s
    inp['lstm_bih1'] = jnp.zeros((2, 4 * H), jnp.float32)
    inp['lstm_bhh1'] = jnp.zeros((2, 4 * H), jnp.float32)
    inp['out_W'] = jax.random.normal(ks[9], (FEAT, 1), jnp.float32) * s
    inp['out_b'] = jnp.zeros((1,), jnp.float32)
    return inp


def reference(states, edge_index, x_init, phi_W1, phi_b1, phi_W2, phi_b2, phi_W3, phi_b3,
              lstm_Wih0, lstm_Whh0, lstm_bih0, lstm_bhh0,
              lstm_Wih1, lstm_Whh1, lstm_bih1, lstm_bhh1, out_W, out_b):
    x = x_init
    for l in range(2):
        p = {'W1': phi_W1[l], 'b1': phi_b1[l], 'W2': phi_W2[l], 'b2': phi_b2[l],
             'W3': phi_W3[l], 'b3': phi_b3[l],
             'Wih0': lstm_Wih0[l], 'Whh0': lstm_Whh0[l], 'bih0': lstm_bih0[l], 'bhh0': lstm_bhh0[l],
             'Wih1': lstm_Wih1[l], 'Whh1': lstm_Whh1[l], 'bih1': lstm_bih1[l], 'bhh1': lstm_bhh1[l]}
        x = _gnn_layer(x, states, edge_index, p)
        if l == 0:
            x = jax.nn.relu(x)
    h = jax.nn.relu(x) @ out_W + out_b
    return h

if __name__ == "__main__":
    import jax
    _d = setup_inputs()
    print(jax.jit(kernel)(*tuple(_d.values())))

</pallas_src>

<mosaic_0001>
#map = affine_map<(d0, d1) -> (0, 0)>
#map1 = affine_map<(d0, d1) -> (0, 0, 0)>
module attributes {stable_mosaic.version = 14 : i64} {
  func.func @gather_k(%arg0: i32, %arg1: i32, %arg2: memref<10240x32xf32, #tpu.memory_space<hbm>>, %arg3: memref<10240x16xf32, #tpu.memory_space<hbm>>, %arg4: memref<32x79x128xi32, #tpu.memory_space<hbm>>, %arg5: memref<32x79x128xi32, #tpu.memory_space<hbm>>, %arg6: memref<323584x32xf32, #tpu.memory_space<hbm>>, %arg7: memref<323584x16xf32, #tpu.memory_space<hbm>>, %arg8: memref<323584x16xf32, #tpu.memory_space<hbm>>, %arg9: memref<79x128xi32, #tpu.memory_space<vmem>>, %arg10: memref<79x128xi32, #tpu.memory_space<vmem>>, %arg11: memref<128x32xf32, #tpu.memory_space<vmem>>, %arg12: memref<128x16xf32, #tpu.memory_space<vmem>>, %arg13: memref<128x16xf32, #tpu.memory_space<vmem>>, %arg14: memref<!tpu.dma_semaphore, #tpu.memory_space<semaphore_mem>>, %arg15: memref<!tpu.dma_semaphore, #tpu.memory_space<semaphore_mem>>, %arg16: memref<!tpu.dma_semaphore, #tpu.memory_space<semaphore_mem>>) attributes {dimension_semantics = [#tpu.dimension_semantics<core_parallel>, #tpu.dimension_semantics<subcore_parallel>], iteration_bounds = array<i64: 2, 16>, scalar_prefetch = 0 : i64, scratch_operands = 8 : i64, tpu.core_type = #tpu.core_type<sc_vector_subcore>, window_params = [{transform_indices = #map}, {transform_indices = #map}, {transform_indices = #map1}, {transform_indices = #map1}, {transform_indices = #map}, {transform_indices = #map}, {transform_indices = #map}]} {
    %mul3A = arith.constant 2 : i32
    %mul3A_0 = arith.muli %arg1, %mul3A : i32
    %add3A = arith.addi %mul3A_0, %arg0 : i32
    "tpu.region"() ({
      %run_scoped3A = tpu.sem_alloc : memref<!tpu.dma_semaphore, #tpu.memory_space<semaphore_mem>>
      %dma_start3A = arith.constant 0 : i32
      %dma_start3A_8 = arith.constant 0 : i32
      %dma_start3A_9 = tpu.memref_slice %arg4[%add3A, %dma_start3A, %dma_start3A_8] : memref<32x79x128xi32, #tpu.memory_space<hbm>> -> memref<1x79x128xi32, #tpu.memory_space<hbm>>
      %dma_start3A_10 = tpu.memref_squeeze %dma_start3A_9 : memref<1x79x128xi32, #tpu.memory_space<hbm>> -> memref<79x128xi32, #tpu.memory_space<hbm>>
      %dma_start3A_11 = arith.constant 0 : i32
      %dma_start3A_12 = arith.constant 0 : i32
      %dma_start3A_13 = tpu.memref_slice %arg4[%add3A, %dma_start3A_11, %dma_start3A_12] : memref<32x79x128xi32, #tpu.memory_space<hbm>> -> memref<1x79x128xi32, #tpu.memory_space<hbm>>
      %dma_start3A_14 = tpu.memref_squeeze %dma_start3A_13 : memref<1x79x128xi32, #tpu.memory_space<hbm>> -> memref<79x128xi32, #tpu.memory_space<hbm>>
      tpu.enqueue_dma source(%dma_start3A_14 : memref<79x128xi32, #tpu.memory_space<hbm>>) target(%arg9 : memref<79x128xi32, #tpu.memory_space<vmem>>) target_semaphore(%run_scoped3A : memref<!tpu.dma_semaphore, #tpu.memory_space<semaphore_mem>>)
      %dma_wait3A = arith.constant 0 : i32
      %dma_wait3A_15 = arith.constant 0 : i32
      %dma_wait3A_16 = tpu.memref_slice %arg4[%add3A, %dma_wait3A, %dma_wait3A_15] : memref<32x79x128xi32, #tpu.memory_space<hbm>> -> memref<1x79x128xi32, #tpu.memory_space<hbm>>
      %dma_wait3A_17 = tpu.memref_squeeze %dma_wait3A_16 : memref<1x79x128xi32, #tpu.memory_space<hbm>> -> memref<79x128xi32, #tpu.memory_space<hbm>>
      %dma_wait3A_18 = arith.constant 0 : i32
      %dma_wait3A_19 = arith.constant 0 : i32
      %dma_wait3A_20 = tpu.memref_slice %arg4[%add3A, %dma_wait3A_18, %dma_wait3A_19] : memref<32x79x128xi32, #tpu.memory_space<hbm>> -> memref<1x79x128xi32, #tpu.memory_space<hbm>>
      %dma_wait3A_21 = tpu.memref_squeeze %dma_wait3A_20 : memref<1x79x128xi32, #tpu.memory_space<hbm>> -> memref<79x128xi32, #tpu.memory_space<hbm>>
      tpu.wait_dma2 semaphore(%run_scoped3A : memref<!tpu.dma_semaphore, #tpu.memory_space<semaphore_mem>>) src(%dma_wait3A_21 : memref<79x128xi32, #tpu.memory_space<hbm>>) dst(%arg9 : memref<79x128xi32, #tpu.memory_space<vmem>>)
      tpu.yield
    }) : () -> ()
    "tpu.region"() ({
      %run_scoped3A = tpu.sem_alloc : memref<!tpu.dma_semaphore, #tpu.memory_space<semaphore_mem>>
      %dma_start3A = arith.constant 0 : i32
      %dma_start3A_8 = arith.constant 0 : i32
      %dma_start3A_9 = tpu.memref_slice %arg5[%add3A, %dma_start3A, %dma_start3A_8] : memref<32x79x128xi32, #tpu.memory_space<hbm>> -> memref<1x79x128xi32, #tpu.memory_space<hbm>>
      %dma_start3A_10 = tpu.memref_squeeze %dma_start3A_9 : memref<1x79x128xi32, #tpu.memory_space<hbm>> -> memref<79x128xi32, #tpu.memory_space<hbm>>
      %dma_start3A_11 = arith.constant 0 : i32
      %dma_start3A_12 = arith.constant 0 : i32
      %dma_start3A_13 = tpu.memref_slice %arg5[%add3A, %dma_start3A_11, %dma_start3A_12] : memref<32x79x128xi32, #tpu.memory_space<hbm>> -> memref<1x79x128xi32, #tpu.memory_space<hbm>>
      %dma_start3A_14 = tpu.memref_squeeze %dma_start3A_13 : memref<1x79x128xi32, #tpu.memory_space<hbm>> -> memref<79x128xi32, #tpu.memory_space<hbm>>
      tpu.enqueue_dma source(%dma_start3A_14 : memref<79x128xi32, #tpu.memory_space<hbm>>) target(%arg10 : memref<79x128xi32, #tpu.memory_space<vmem>>) target_semaphore(%run_scoped3A : memref<!tpu.dma_semaphore, #tpu.memory_space<semaphore_mem>>)
      %dma_wait3A = arith.constant 0 : i32
      %dma_wait3A_15 = arith.constant 0 : i32
      %dma_wait3A_16 = tpu.memref_slice %arg5[%add3A, %dma_wait3A, %dma_wait3A_15] : memref<32x79x128xi32, #tpu.memory_space<hbm>> -> memref<1x79x128xi32, #tpu.memory_space<hbm>>
      %dma_wait3A_17 = tpu.memref_squeeze %dma_wait3A_16 : memref<1x79x128xi32, #tpu.memory_space<hbm>> -> memref<79x128xi32, #tpu.memory_space<hbm>>
      %dma_wait3A_18 = arith.constant 0 : i32
      %dma_wait3A_19 = arith.constant 0 : i32
      %dma_wait3A_20 = tpu.memref_slice %arg5[%add3A, %dma_wait3A_18, %dma_wait3A_19] : memref<32x79x128xi32, #tpu.memory_space<hbm>> -> memref<1x79x128xi32, #tpu.memory_space<hbm>>
      %dma_wait3A_21 = tpu.memref_squeeze %dma_wait3A_20 : memref<1x79x128xi32, #tpu.memory_space<hbm>> -> memref<79x128xi32, #tpu.memory_space<hbm>>
      tpu.wait_dma2 semaphore(%run_scoped3A : memref<!tpu.dma_semaphore, #tpu.memory_space<semaphore_mem>>) src(%dma_wait3A_21 : memref<79x128xi32, #tpu.memory_space<hbm>>) dst(%arg10 : memref<79x128xi32, #tpu.memory_space<vmem>>)
      tpu.yield
    }) : () -> ()
    %mul3A_1 = arith.constant 10112 : i32
    %mul3A_2 = arith.muli %add3A, %mul3A_1 : i32
    %scan3A = arith.constant 0 : i32
    %scan3A_3 = arith.constant 0 : i32
    %scan3A_4 = arith.constant 79 : i32
    %scan3A_5 = arith.addi %scan3A_3, %scan3A_4 : i32
    %scan3A_6 = arith.constant 1 : i32
    scf.for %scan3A_8 = %scan3A_3 to %scan3A_5 step %scan3A_6  : i32 {
      %dma_start3A = arith.constant 0 : i32
      %dma_start3A_9 = tpu.memref_slice %arg9[%scan3A_8, %dma_start3A] : memref<79x128xi32, #tpu.memory_space<vmem>> -> memref<1x128xi32, #tpu.memory_space<vmem>>
      %dma_start3A_10 = tpu.memref_squeeze %dma_start3A_9 : memref<1x128xi32, #tpu.memory_space<vmem>> -> memref<128xi32, #tpu.memory_space<vmem>>
      %dma_start3A_11 = arith.constant 0 : i32
      %dma_start3A_12 = arith.constant 0 : i32
      %dma_start3A_13 = tpu.memref_slice %arg2[%dma_start3A_11, %dma_start3A_12] : memref<10240x32xf32, #tpu.memory_space<hbm>> -> memref<10240x32xf32, #tpu.memory_space<hbm>>
      tpu.enqueue_indirect_dma source(%dma_start3A_13 : memref<10240x32xf32, #tpu.memory_space<hbm>>) target(%arg11 : memref<128x32xf32, #tpu.memory_space<vmem>>) offsets(%dma_start3A_10 : memref<128xi32, #tpu.memory_space<vmem>>) semaphore(%arg14 : memref<!tpu.dma_semaphore, #tpu.memory_space<semaphore_mem>>)
      %dma_start3A_14 = arith.constant 0 : i32
      %dma_start3A_15 = tpu.memref_slice %arg9[%scan3A_8, %dma_start3A_14] : memref<79x128xi32, #tpu.memory_space<vmem>> -> memref<1x128xi32, #tpu.memory_space<vmem>>
      %dma_start3A_16 = tpu.memref_squeeze %dma_start3A_15 : memref<1x128xi32, #tpu.memory_space<vmem>> -> memref<128xi32, #tpu.memory_space<vmem>>
      %dma_start3A_17 = arith.constant 0 : i32
      %dma_start3A_18 = arith.constant 0 : i32
      %dma_start3A_19 = tpu.memref_slice %arg3[%dma_start3A_17, %dma_start3A_18] : memref<10240x16xf32, #tpu.memory_space<hbm>> -> memref<10240x16xf32, #tpu.memory_space<hbm>>
      tpu.enqueue_indirect_dma source(%dma_start3A_19 : memref<10240x16xf32, #tpu.memory_space<hbm>>) target(%arg12 : memref<128x16xf32, #tpu.memory_space<vmem>>) offsets(%dma_start3A_16 : memref<128xi32, #tpu.memory_space<vmem>>) semaphore(%arg15 : memref<!tpu.dma_semaphore, #tpu.memory_space<semaphore_mem>>)
      %dma_start3A_20 = arith.constant 0 : i32
      %dma_start3A_21 = tpu.memref_slice %arg10[%scan3A_8, %dma_start3A_20] : memref<79x128xi32, #tpu.memory_space<vmem>> -> memref<1x128xi32, #tpu.memory_space<vmem>>
      %dma_start3A_22 = tpu.memref_squeeze %dma_start3A_21 : memref<1x128xi32, #tpu.memory_space<vmem>> -> memref<128xi32, #tpu.memory_space<vmem>>
      %dma_start3A_23 = arith.constant 0 : i32
      %dma_start3A_24 = arith.constant 0 : i32
      %dma_start3A_25 = tpu.memref_slice %arg3[%dma_start3A_23, %dma_start3A_24] : memref<10240x16xf32, #tpu.memory_space<hbm>> -> memref<10240x16xf32, #tpu.memory_space<hbm>>
      tpu.enqueue_indirect_dma source(%dma_start3A_25 : memref<10240x16xf32, #tpu.memory_space<hbm>>) target(%arg13 : memref<128x16xf32, #tpu.memory_space<vmem>>) offsets(%dma_start3A_22 : memref<128xi32, #tpu.memory_space<vmem>>) semaphore(%arg16 : memref<!tpu.dma_semaphore, #tpu.memory_space<semaphore_mem>>)
      %dma_wait3A = arith.constant 0 : i32
      %dma_wait3A_26 = tpu.memref_slice %arg9[%scan3A_8, %dma_wait3A] : memref<79x128xi32, #tpu.memory_space<vmem>> -> memref<1x128xi32, #tpu.memory_space<vmem>>
      %dma_wait3A_27 = tpu.memref_squeeze %dma_wait3A_26 : memref<1x128xi32, #tpu.memory_space<vmem>> -> memref<128xi32, #tpu.memory_space<vmem>>
      %dma_wait3A_28 = arith.constant 0 : i32
      %dma_wait3A_29 = arith.constant 0 : i32
      %dma_wait3A_30 = tpu.memref_slice %arg2[%dma_wait3A_28, %dma_wait3A_29] : memref<10240x32xf32, #tpu.memory_space<hbm>> -> memref<10240x32xf32, #tpu.memory_space<hbm>>
      tpu.wait_indirect_dma semaphore(%arg14 : memref<!tpu.dma_semaphore, #tpu.memory_space<semaphore_mem>>) src(%dma_wait3A_30 : memref<10240x32xf32, #tpu.memory_space<hbm>>) dst(%arg11 : memref<128x32xf32, #tpu.memory_space<vmem>>)
      %dma_wait3A_31 = arith.constant 0 : i32
      %dma_wait3A_32 = tpu.memref_slice %arg9[%scan3A_8, %dma_wait3A_31] : memref<79x128xi32, #tpu.memory_space<vmem>> -> memref<1x128xi32, #tpu.memory_space<vmem>>
      %dma_wait3A_33 = tpu.memref_squeeze %dma_wait3A_32 : memref<1x128xi32, #tpu.memory_space<vmem>> -> memref<128xi32, #tpu.memory_space<vmem>>
      %dma_wait3A_34 = arith.constant 0 : i32
      %dma_wait3A_35 = arith.constant 0 : i32
      %dma_wait3A_36 = tpu.memref_slice %arg3[%dma_wait3A_34, %dma_wait3A_35] : memref<10240x16xf32, #tpu.memory_space<hbm>> -> memref<10240x16xf32, #tpu.memory_space<hbm>>
      tpu.wait_indirect_dma semaphore(%arg15 : memref<!tpu.dma_semaphore, #tpu.memory_space<semaphore_mem>>) src(%dma_wait3A_36 : memref<10240x16xf32, #tpu.memory_space<hbm>>) dst(%arg12 : memref<128x16xf32, #tpu.memory_space<vmem>>)
      %dma_wait3A_37 = arith.constant 0 : i32
      %dma_wait3A_38 = tpu.memref_slice %arg10[%scan3A_8, %dma_wait3A_37] : memref<79x128xi32, #tpu.memory_space<vmem>> -> memref<1x128xi32, #tpu.memory_space<vmem>>
      %dma_wait3A_39 = tpu.memref_squeeze %dma_wait3A_38 : memref<1x128xi32, #tpu.memory_space<vmem>> -> memref<128xi32, #tpu.memory_space<vmem>>
      %dma_wait3A_40 = arith.constant 0 : i32
      %dma_wait3A_41 = arith.constant 0 : i32
      %dma_wait3A_42 = tpu.memref_slice %arg3[%dma_wait3A_40, %dma_wait3A_41] : memref<10240x16xf32, #tpu.memory_space<hbm>> -> memref<10240x16xf32, #tpu.memory_space<hbm>>
      tpu.wait_indirect_dma semaphore(%arg16 : memref<!tpu.dma_semaphore, #tpu.memory_space<semaphore_mem>>) src(%dma_wait3A_42 : memref<10240x16xf32, #tpu.memory_space<hbm>>) dst(%arg13 : memref<128x16xf32, #tpu.memory_space<vmem>>)
      %mul3A_43 = arith.constant 128 : i32
      %mul3A_44 = arith.muli %scan3A_8, %mul3A_43 : i32
      %add3A_45 = arith.addi %mul3A_2, %mul3A_44 : i32
      "tpu.region"() ({
        %run_scoped3A = tpu.sem_alloc : memref<!tpu.dma_semaphore, #tpu.memory_space<semaphore_mem>>
        %dma_start3A_52 = arith.constant 0 : i32
        %dma_start3A_53 = tpu.memref_slice %arg6[%add3A_45, %dma_start3A_52] : memref<323584x32xf32, #tpu.memory_space<hbm>> -> memref<128x32xf32, #tpu.memory_space<hbm>>
        %dma_start3A_54 = arith.constant 0 : i32
        %dma_start3A_55 = tpu.memref_slice %arg6[%add3A_45, %dma_start3A_54] : memref<323584x32xf32, #tpu.memory_space<hbm>> -> memref<128x32xf32, #tpu.memory_space<hbm>>
        tpu.enqueue_dma source(%arg11 : memref<128x32xf32, #tpu.memory_space<vmem>>) target(%dma_start3A_55 : memref<128x32xf32, #tpu.memory_space<hbm>>) target_semaphore(%run_scoped3A : memref<!tpu.dma_semaphore, #tpu.memory_space<semaphore_mem>>)
        %dma_wait3A_56 = arith.constant 0 : i32
        %dma_wait3A_57 = tpu.memref_slice %arg6[%add3A_45, %dma_wait3A_56] : memref<323584x32xf32, #tpu.memory_space<hbm>> -> memref<128x32xf32, #tpu.memory_space<hbm>>
        %dma_wait3A_58 = arith.constant 0 : i32
        %dma_wait3A_59 = tpu.memref_slice %arg6[%add3A_45, %dma_wait3A_58] : memref<323584x32xf32, #tpu.memory_space<hbm>> -> memref<128x32xf32, #tpu.memory_space<hbm>>
        tpu.wait_dma2 semaphore(%run_scoped3A : memref<!tpu.dma_semaphore, #tpu.memory_space<semaphore_mem>>) src(%arg11 : memref<128x32xf32, #tpu.memory_space<vmem>>) dst(%dma_wait3A_59 : memref<128x32xf32, #tpu.memory_space<hbm>>)
        tpu.yield
      }) : () -> ()
      %mul3A_46 = arith.constant 128 : i32
      %mul3A_47 = arith.muli %scan3A_8, %mul3A_46 : i32
      %add3A_48 = arith.addi %mul3A_2, %mul3A_47 : i32
      "tpu.region"() ({
        %run_scoped3A = tpu.sem_alloc : memref<!tpu.dma_semaphore, #tpu.memory_space<semaphore_mem>>
        %dma_start3A_52 = arith.constant 0 : i32
        %dma_start3A_53 = tpu.memref_slice %arg7[%add3A_48, %dma_start3A_52] : memref<323584x16xf32, #tpu.memory_space<hbm>> -> memref<128x16xf32, #tpu.memory_space<hbm>>
        %dma_start3A_54 = arith.constant 0 : i32
        %dma_start3A_55 = tpu.memref_slice %arg7[%add3A_48, %dma_start3A_54] : memref<323584x16xf32, #tpu.memory_space<hbm>> -> memref<128x16xf32, #tpu.memory_space<hbm>>
        tpu.enqueue_dma source(%arg12 : memref<128x16xf32, #tpu.memory_space<vmem>>) target(%dma_start3A_55 : memref<128x16xf32, #tpu.memory_space<hbm>>) target_semaphore(%run_scoped3A : memref<!tpu.dma_semaphore, #tpu.memory_space<semaphore_mem>>)
        %dma_wait3A_56 = arith.constant 0 : i32
        %dma_wait3A_57 = tpu.memref_slice %arg7[%add3A_48, %dma_wait3A_56] : memref<323584x16xf32, #tpu.memory_space<hbm>> -> memref<128x16xf32, #tpu.memory_space<hbm>>
        %dma_wait3A_58 = arith.constant 0 : i32
        %dma_wait3A_59 = tpu.memref_slice %arg7[%add3A_48, %dma_wait3A_58] : memref<323584x16xf32, #tpu.memory_space<hbm>> -> memref<128x16xf32, #tpu.memory_space<hbm>>
        tpu.wait_dma2 semaphore(%run_scoped3A : memref<!tpu.dma_semaphore, #tpu.memory_space<semaphore_mem>>) src(%arg12 : memref<128x16xf32, #tpu.memory_space<vmem>>) dst(%dma_wait3A_59 : memref<128x16xf32, #tpu.memory_space<hbm>>)
        tpu.yield
      }) : () -> ()
      %mul3A_49 = arith.constant 128 : i32
      %mul3A_50 = arith.muli %scan3A_8, %mul3A_49 : i32
      %add3A_51 = arith.addi %mul3A_2, %mul3A_50 : i32
      "tpu.region"() ({
        %run_scoped3A = tpu.sem_alloc : memref<!tpu.dma_semaphore, #tpu.memory_space<semaphore_mem>>
        %dma_start3A_52 = arith.constant 0 : i32
        %dma_start3A_53 = tpu.memref_slice %arg8[%add3A_51, %dma_start3A_52] : memref<323584x16xf32, #tpu.memory_space<hbm>> -> memref<128x16xf32, #tpu.memory_space<hbm>>
        %dma_start3A_54 = arith.constant 0 : i32
        %dma_start3A_55 = tpu.memref_slice %arg8[%add3A_51, %dma_start3A_54] : memref<323584x16xf32, #tpu.memory_space<hbm>> -> memref<128x16xf32, #tpu.memory_space<hbm>>
        tpu.enqueue_dma source(%arg13 : memref<128x16xf32, #tpu.memory_space<vmem>>) target(%dma_start3A_55 : memref<128x16xf32, #tpu.memory_space<hbm>>) target_semaphore(%run_scoped3A : memref<!tpu.dma_semaphore, #tpu.memory_space<semaphore_mem>>)
        %dma_wait3A_56 = arith.constant 0 : i32
        %dma_wait3A_57 = tpu.memref_slice %arg8[%add3A_51, %dma_wait3A_56] : memref<323584x16xf32, #tpu.memory_space<hbm>> -> memref<128x16xf32, #tpu.memory_space<hbm>>
        %dma_wait3A_58 = arith.constant 0 : i32
        %dma_wait3A_59 = tpu.memref_slice %arg8[%add3A_51, %dma_wait3A_58] : memref<323584x16xf32, #tpu.memory_space<hbm>> -> memref<128x16xf32, #tpu.memory_space<hbm>>
        tpu.wait_dma2 semaphore(%run_scoped3A : memref<!tpu.dma_semaphore, #tpu.memory_space<semaphore_mem>>) src(%arg13 : memref<128x16xf32, #tpu.memory_space<vmem>>) dst(%dma_wait3A_59 : memref<128x16xf32, #tpu.memory_space<hbm>>)
        tpu.yield
      }) : () -> ()
    }
    %scan3A_7 = arith.constant 79 : i32
    return
  }
}

#map = affine_map<(d0, d1) -> (0, 0)>
#map1 = affine_map<(d0, d1) -> (0, 0, 0)>
module attributes {stable_mosaic.version = 14 : i64} {
  func.func @gather_k(%arg0: i32, %arg1: i32, %arg2: memref<10240x32xf32, #tpu.memory_space<hbm>>, %arg3: memref<10240x16xf32, #tpu.memory_space<hbm>>, %arg4: memref<32x79x128xi32, #tpu.memory_space<hbm>>, %arg5: memref<32x79x128xi32, #tpu.memory_space<hbm>>, %arg6: memref<323584x32xf32, #tpu.memory_space<hbm>>, %arg7: memref<323584x16xf32, #tpu.memory_space<hbm>>, %arg8: memref<323584x16xf32, #tpu.memory_space<hbm>>, %arg9: memref<79x128xi32, #tpu.memory_space<vmem>>, %arg10: memref<79x128xi32, #tpu.memory_space<vmem>>, %arg11: memref<128x32xf32, #tpu.memory_space<vmem>>, %arg12: memref<128x16xf32, #tpu.memory_space<vmem>>, %arg13: memref<128x16xf32, #tpu.memory_space<vmem>>, %arg14: memref<!tpu.dma_semaphore, #tpu.memory_space<semaphore_mem>>, %arg15: memref<!tpu.dma_semaphore, #tpu.memory_space<semaphore_mem>>, %arg16: memref<!tpu.dma_semaphore, #tpu.memory_space<semaphore_mem>>) attributes {dimension_semantics = [#tpu.dimension_semantics<core_parallel>, #tpu.dimension_semantics<subcore_parallel>], iteration_bounds = array<i64: 2, 16>, scalar_prefetch = 0 : i64, scratch_operands = 8 : i64, tpu.core_type = #tpu.core_type<sc_vector_subcore>, window_params = [{transform_indices = #map}, {transform_indices = #map}, {transform_indices = #map1}, {transform_indices = #map1}, {transform_indices = #map}, {transform_indices = #map}, {transform_indices = #map}]} {
    %mul3A = arith.constant 2 : i32
    %mul3A_0 = arith.muli %arg1, %mul3A : i32
    %add3A = arith.addi %mul3A_0, %arg0 : i32
    "tpu.region"() ({
      %run_scoped3A = tpu.sem_alloc : memref<!tpu.dma_semaphore, #tpu.memory_space<semaphore_mem>>
      %dma_start3A = arith.constant 0 : i32
      %dma_start3A_8 = arith.constant 0 : i32
      %dma_start3A_9 = tpu.memref_slice %arg4[%add3A, %dma_start3A, %dma_start3A_8] : memref<32x79x128xi32, #tpu.memory_space<hbm>> -> memref<1x79x128xi32, #tpu.memory_space<hbm>>
      %dma_start3A_10 = tpu.memref_squeeze %dma_start3A_9 : memref<1x79x128xi32, #tpu.memory_space<hbm>> -> memref<79x128xi32, #tpu.memory_space<hbm>>
      %dma_start3A_11 = arith.constant 0 : i32
      %dma_start3A_12 = arith.constant 0 : i32
      %dma_start3A_13 = tpu.memref_slice %arg4[%add3A, %dma_start3A_11, %dma_start3A_12] : memref<32x79x128xi32, #tpu.memory_space<hbm>> -> memref<1x79x128xi32, #tpu.memory_space<hbm>>
      %dma_start3A_14 = tpu.memref_squeeze %dma_start3A_13 : memref<1x79x128xi32, #tpu.memory_space<hbm>> -> memref<79x128xi32, #tpu.memory_space<hbm>>
      tpu.enqueue_dma source(%dma_start3A_14 : memref<79x128xi32, #tpu.memory_space<hbm>>) target(%arg9 : memref<79x128xi32, #tpu.memory_space<vmem>>) target_semaphore(%run_scoped3A : memref<!tpu.dma_semaphore, #tpu.memory_space<semaphore_mem>>)
      %dma_wait3A = arith.constant 0 : i32
      %dma_wait3A_15 = arith.constant 0 : i32
      %dma_wait3A_16 = tpu.memref_slice %arg4[%add3A, %dma_wait3A, %dma_wait3A_15] : memref<32x79x128xi32, #tpu.memory_space<hbm>> -> memref<1x79x128xi32, #tpu.memory_space<hbm>>
      %dma_wait3A_17 = tpu.memref_squeeze %dma_wait3A_16 : memref<1x79x128xi32, #tpu.memory_space<hbm>> -> memref<79x128xi32, #tpu.memory_space<hbm>>
      %dma_wait3A_18 = arith.constant 0 : i32
      %dma_wait3A_19 = arith.constant 0 : i32
      %dma_wait3A_20 = tpu.memref_slice %arg4[%add3A, %dma_wait3A_18, %dma_wait3A_19] : memref<32x79x128xi32, #tpu.memory_space<hbm>> -> memref<1x79x128xi32, #tpu.memory_space<hbm>>
      %dma_wait3A_21 = tpu.memref_squeeze %dma_wait3A_20 : memref<1x79x128xi32, #tpu.memory_space<hbm>> -> memref<79x128xi32, #tpu.memory_space<hbm>>
      tpu.wait_dma2 semaphore(%run_scoped3A : memref<!tpu.dma_semaphore, #tpu.memory_space<semaphore_mem>>) src(%dma_wait3A_21 : memref<79x128xi32, #tpu.memory_space<hbm>>) dst(%arg9 : memref<79x128xi32, #tpu.memory_space<vmem>>)
      tpu.yield
    }) : () -> ()
    "tpu.region"() ({
      %run_scoped3A = tpu.sem_alloc : memref<!tpu.dma_semaphore, #tpu.memory_space<semaphore_mem>>
      %dma_start3A = arith.constant 0 : i32
      %dma_start3A_8 = arith.constant 0 : i32
      %dma_start3A_9 = tpu.memref_slice %arg5[%add3A, %dma_start3A, %dma_start3A_8] : memref<32x79x128xi32, #tpu.memory_space<hbm>> -> memref<1x79x128xi32, #tpu.memory_space<hbm>>
      %dma_start3A_10 = tpu.memref_squeeze %dma_start3A_9 : memref<1x79x128xi32, #tpu.memory_space<hbm>> -> memref<79x128xi32, #tpu.memory_space<hbm>>
      %dma_start3A_11 = arith.constant 0 : i32
      %dma_start3A_12 = arith.constant 0 : i32
      %dma_start3A_13 = tpu.memref_slice %arg5[%add3A, %dma_start3A_11, %dma_start3A_12] : memref<32x79x128xi32, #tpu.memory_space<hbm>> -> memref<1x79x128xi32, #tpu.memory_space<hbm>>
      %dma_start3A_14 = tpu.memref_squeeze %dma_start3A_13 : memref<1x79x128xi32, #tpu.memory_space<hbm>> -> memref<79x128xi32, #tpu.memory_space<hbm>>
      tpu.enqueue_dma source(%dma_start3A_14 : memref<79x128xi32, #tpu.memory_space<hbm>>) target(%arg10 : memref<79x128xi32, #tpu.memory_space<vmem>>) target_semaphore(%run_scoped3A : memref<!tpu.dma_semaphore, #tpu.memory_space<semaphore_mem>>)
      %dma_wait3A = arith.constant 0 : i32
      %dma_wait3A_15 = arith.constant 0 : i32
      %dma_wait3A_16 = tpu.memref_slice %arg5[%add3A, %dma_wait3A, %dma_wait3A_15] : memref<32x79x128xi32, #tpu.memory_space<hbm>> -> memref<1x79x128xi32, #tpu.memory_space<hbm>>
      %dma_wait3A_17 = tpu.memref_squeeze %dma_wait3A_16 : memref<1x79x128xi32, #tpu.memory_space<hbm>> -> memref<79x128xi32, #tpu.memory_space<hbm>>
      %dma_wait3A_18 = arith.constant 0 : i32
      %dma_wait3A_19 = arith.constant 0 : i32
      %dma_wait3A_20 = tpu.memref_slice %arg5[%add3A, %dma_wait3A_18, %dma_wait3A_19] : memref<32x79x128xi32, #tpu.memory_space<hbm>> -> memref<1x79x128xi32, #tpu.memory_space<hbm>>
      %dma_wait3A_21 = tpu.memref_squeeze %dma_wait3A_20 : memref<1x79x128xi32, #tpu.memory_space<hbm>> -> memref<79x128xi32, #tpu.memory_space<hbm>>
      tpu.wait_dma2 semaphore(%run_scoped3A : memref<!tpu.dma_semaphore, #tpu.memory_space<semaphore_mem>>) src(%dma_wait3A_21 : memref<79x128xi32, #tpu.memory_space<hbm>>) dst(%arg10 : memref<79x128xi32, #tpu.memory_space<vmem>>)
      tpu.yield
    }) : () -> ()
    %mul3A_1 = arith.constant 10112 : i32
    %mul3A_2 = arith.muli %add3A, %mul3A_1 : i32
    %scan3A = arith.constant 0 : i32
    %scan3A_3 = arith.constant 0 : i32
    %scan3A_4 = arith.constant 79 : i32
    %scan3A_5 = arith.addi %scan3A_3, %scan3A_4 : i32
    %scan3A_6 = arith.constant 1 : i32
    scf.for %scan3A_8 = %scan3A_3 to %scan3A_5 step %scan3A_6  : i32 {
      %dma_start3A = arith.constant 0 : i32
      %dma_start3A_9 = tpu.memref_slice %arg9[%scan3A_8, %dma_start3A] : memref<79x128xi32, #tpu.memory_space<vmem>> -> memref<1x128xi32, #tpu.memory_space<vmem>>
      %dma_start3A_10 = tpu.memref_squeeze %dma_start3A_9 : memref<1x128xi32, #tpu.memory_space<vmem>> -> memref<128xi32, #tpu.memory_space<vmem>>
      %dma_start3A_11 = arith.constant 0 : i32
      %dma_start3A_12 = arith.constant 0 : i32
      %dma_start3A_13 = tpu.memref_slice %arg2[%dma_start3A_11, %dma_start3A_12] : memref<10240x32xf32, #tpu.memory_space<hbm>> -> memref<10240x32xf32, #tpu.memory_space<hbm>>
      tpu.enqueue_indirect_dma source(%dma_start3A_13 : memref<10240x32xf32, #tpu.memory_space<hbm>>) target(%arg11 : memref<128x32xf32, #tpu.memory_space<vmem>>) offsets(%dma_start3A_10 : memref<128xi32, #tpu.memory_space<vmem>>) semaphore(%arg14 : memref<!tpu.dma_semaphore, #tpu.memory_space<semaphore_mem>>)
      %dma_start3A_14 = arith.constant 0 : i32
      %dma_start3A_15 = tpu.memref_slice %arg9[%scan3A_8, %dma_start3A_14] : memref<79x128xi32, #tpu.memory_space<vmem>> -> memref<1x128xi32, #tpu.memory_space<vmem>>
      %dma_start3A_16 = tpu.memref_squeeze %dma_start3A_15 : memref<1x128xi32, #tpu.memory_space<vmem>> -> memref<128xi32, #tpu.memory_space<vmem>>
      %dma_start3A_17 = arith.constant 0 : i32
      %dma_start3A_18 = arith.constant 0 : i32
      %dma_start3A_19 = tpu.memref_slice %arg3[%dma_start3A_17, %dma_start3A_18] : memref<10240x16xf32, #tpu.memory_space<hbm>> -> memref<10240x16xf32, #tpu.memory_space<hbm>>
      tpu.enqueue_indirect_dma source(%dma_start3A_19 : memref<10240x16xf32, #tpu.memory_space<hbm>>) target(%arg12 : memref<128x16xf32, #tpu.memory_space<vmem>>) offsets(%dma_start3A_16 : memref<128xi32, #tpu.memory_space<vmem>>) semaphore(%arg15 : memref<!tpu.dma_semaphore, #tpu.memory_space<semaphore_mem>>)
      %dma_start3A_20 = arith.constant 0 : i32
      %dma_start3A_21 = tpu.memref_slice %arg10[%scan3A_8, %dma_start3A_20] : memref<79x128xi32, #tpu.memory_space<vmem>> -> memref<1x128xi32, #tpu.memory_space<vmem>>
      %dma_start3A_22 = tpu.memref_squeeze %dma_start3A_21 : memref<1x128xi32, #tpu.memory_space<vmem>> -> memref<128xi32, #tpu.memory_space<vmem>>
      %dma_start3A_23 = arith.constant 0 : i32
      %dma_start3A_24 = arith.constant 0 : i32
      %dma_start3A_25 = tpu.memref_slice %arg3[%dma_start3A_23, %dma_start3A_24] : memref<10240x16xf32, #tpu.memory_space<hbm>> -> memref<10240x16xf32, #tpu.memory_space<hbm>>
      tpu.enqueue_indirect_dma source(%dma_start3A_25 : memref<10240x16xf32, #tpu.memory_space<hbm>>) target(%arg13 : memref<128x16xf32, #tpu.memory_space<vmem>>) offsets(%dma_start3A_22 : memref<128xi32, #tpu.memory_space<vmem>>) semaphore(%arg16 : memref<!tpu.dma_semaphore, #tpu.memory_space<semaphore_mem>>)
      %dma_wait3A = arith.constant 0 : i32
      %dma_wait3A_26 = tpu.memref_slice %arg9[%scan3A_8, %dma_wait3A] : memref<79x128xi32, #tpu.memory_space<vmem>> -> memref<1x128xi32, #tpu.memory_space<vmem>>
      %dma_wait3A_27 = tpu.memref_squeeze %dma_wait3A_26 : memref<1x128xi32, #tpu.memory_space<vmem>> -> memref<128xi32, #tpu.memory_space<vmem>>
      %dma_wait3A_28 = arith.constant 0 : i32
      %dma_wait3A_29 = arith.constant 0 : i32
      %dma_wait3A_30 = tpu.memref_slice %arg2[%dma_wait3A_28, %dma_wait3A_29] : memref<10240x32xf32, #tpu.memory_space<hbm>> -> memref<10240x32xf32, #tpu.memory_space<hbm>>
      tpu.wait_indirect_dma semaphore(%arg14 : memref<!tpu.dma_semaphore, #tpu.memory_space<semaphore_mem>>) src(%dma_wait3A_30 : memref<10240x32xf32, #tpu.memory_space<hbm>>) dst(%arg11 : memref<128x32xf32, #tpu.memory_space<vmem>>)
      %dma_wait3A_31 = arith.constant 0 : i32
      %dma_wait3A_32 = tpu.memref_slice %arg9[%scan3A_8, %dma_wait3A_31] : memref<79x128xi32, #tpu.memory_space<vmem>> -> memref<1x128xi32, #tpu.memory_space<vmem>>
      %dma_wait3A_33 = tpu.memref_squeeze %dma_wait3A_32 : memref<1x128xi32, #tpu.memory_space<vmem>> -> memref<128xi32, #tpu.memory_space<vmem>>
      %dma_wait3A_34 = arith.constant 0 : i32
      %dma_wait3A_35 = arith.constant 0 : i32
      %dma_wait3A_36 = tpu.memref_slice %arg3[%dma_wait3A_34, %dma_wait3A_35] : memref<10240x16xf32, #tpu.memory_space<hbm>> -> memref<10240x16xf32, #tpu.memory_space<hbm>>
      tpu.wait_indirect_dma semaphore(%arg15 : memref<!tpu.dma_semaphore, #tpu.memory_space<semaphore_mem>>) src(%dma_wait3A_36 : memref<10240x16xf32, #tpu.memory_space<hbm>>) dst(%arg12 : memref<128x16xf32, #tpu.memory_space<vmem>>)
      %dma_wait3A_37 = arith.constant 0 : i32
      %dma_wait3A_38 = tpu.memref_slice %arg10[%scan3A_8, %dma_wait3A_37] : memref<79x128xi32, #tpu.memory_space<vmem>> -> memref<1x128xi32, #tpu.memory_space<vmem>>
      %dma_wait3A_39 = tpu.memref_squeeze %dma_wait3A_38 : memref<1x128xi32, #tpu.memory_space<vmem>> -> memref<128xi32, #tpu.memory_space<vmem>>
      %dma_wait3A_40 = arith.constant 0 : i32
      %dma_wait3A_41 = arith.constant 0 : i32
      %dma_wait3A_42 = tpu.memref_slice %arg3[%dma_wait3A_40, %dma_wait3A_41] : memref<10240x16xf32, #tpu.memory_space<hbm>> -> memref<10240x16xf32, #tpu.memory_space<hbm>>
      tpu.wait_indirect_dma semaphore(%arg16 : memref<!tpu.dma_semaphore, #tpu.memory_space<semaphore_mem>>) src(%dma_wait3A_42 : memref<10240x16xf32, #tpu.memory_space<hbm>>) dst(%arg13 : memref<128x16xf32, #tpu.memory_space<vmem>>)
      %mul3A_43 = arith.constant 128 : i32
      %mul3A_44 = arith.muli %scan3A_8, %mul3A_43 : i32
      %add3A_45 = arith.addi %mul3A_2, %mul3A_44 : i32
      "tpu.region"() ({
        %run_scoped3A = tpu.sem_alloc : memref<!tpu.dma_semaphore, #tpu.memory_space<semaphore_mem>>
        %dma_start3A_52 = arith.constant 0 : i32
        %dma_start3A_53 = tpu.memref_slice %arg6[%add3A_45, %dma_start3A_52] : memref<323584x32xf32, #tpu.memory_space<hbm>> -> memref<128x32xf32, #tpu.memory_space<hbm>>
        %dma_start3A_54 = arith.constant 0 : i32
        %dma_start3A_55 = tpu.memref_slice %arg6[%add3A_45, %dma_start3A_54] : memref<323584x32xf32, #tpu.memory_space<hbm>> -> memref<128x32xf32, #tpu.memory_space<hbm>>
        tpu.enqueue_dma source(%arg11 : memref<128x32xf32, #tpu.memory_space<vmem>>) target(%dma_start3A_55 : memref<128x32xf32, #tpu.memory_space<hbm>>) target_semaphore(%run_scoped3A : memref<!tpu.dma_semaphore, #tpu.memory_space<semaphore_mem>>)
        %dma_wait3A_56 = arith.constant 0 : i32
        %dma_wait3A_57 = tpu.memref_slice %arg6[%add3A_45, %dma_wait3A_56] : memref<323584x32xf32, #tpu.memory_space<hbm>> -> memref<128x32xf32, #tpu.memory_space<hbm>>
        %dma_wait3A_58 = arith.constant 0 : i32
        %dma_wait3A_59 = tpu.memref_slice %arg6[%add3A_45, %dma_wait3A_58] : memref<323584x32xf32, #tpu.memory_space<hbm>> -> memref<128x32xf32, #tpu.memory_space<hbm>>
        tpu.wait_dma2 semaphore(%run_scoped3A : memref<!tpu.dma_semaphore, #tpu.memory_space<semaphore_mem>>) src(%arg11 : memref<128x32xf32, #tpu.memory_space<vmem>>) dst(%dma_wait3A_59 : memref<128x32xf32, #tpu.memory_space<hbm>>)
        tpu.yield
      }) : () -> ()
      %mul3A_46 = arith.constant 128 : i32
      %mul3A_47 = arith.muli %scan3A_8, %mul3A_46 : i32
      %add3A_48 = arith.addi %mul3A_2, %mul3A_47 : i32
      "tpu.region"() ({
        %run_scoped3A = tpu.sem_alloc : memref<!tpu.dma_semaphore, #tpu.memory_space<semaphore_mem>>
        %dma_start3A_52 = arith.constant 0 : i32
        %dma_start3A_53 = tpu.memref_slice %arg7[%add3A_48, %dma_start3A_52] : memref<323584x16xf32, #tpu.memory_space<hbm>> -> memref<128x16xf32, #tpu.memory_space<hbm>>
        %dma_start3A_54 = arith.constant 0 : i32
        %dma_start3A_55 = tpu.memref_slice %arg7[%add3A_48, %dma_start3A_54] : memref<323584x16xf32, #tpu.memory_space<hbm>> -> memref<128x16xf32, #tpu.memory_space<hbm>>
        tpu.enqueue_dma source(%arg12 : memref<128x16xf32, #tpu.memory_space<vmem>>) target(%dma_start3A_55 : memref<128x16xf32, #tpu.memory_space<hbm>>) target_semaphore(%run_scoped3A : memref<!tpu.dma_semaphore, #tpu.memory_space<semaphore_mem>>)
        %dma_wait3A_56 = arith.constant 0 : i32
        %dma_wait3A_57 = tpu.memref_slice %arg7[%add3A_48, %dma_wait3A_56] : memref<323584x16xf32, #tpu.memory_space<hbm>> -> memref<128x16xf32, #tpu.memory_space<hbm>>
        %dma_wait3A_58 = arith.constant 0 : i32
        %dma_wait3A_59 = tpu.memref_slice %arg7[%add3A_48, %dma_wait3A_58] : memref<323584x16xf32, #tpu.memory_space<hbm>> -> memref<128x16xf32, #tpu.memory_space<hbm>>
        tpu.wait_dma2 semaphore(%run_scoped3A : memref<!tpu.dma_semaphore, #tpu.memory_space<semaphore_mem>>) src(%arg12 : memref<128x16xf32, #tpu.memory_space<vmem>>) dst(%dma_wait3A_59 : memref<128x16xf32, #tpu.memory_space<hbm>>)
        tpu.yield
      }) : () -> ()
      %mul3A_49 = arith.constant 128 : i32
      %mul3A_50 = arith.muli %scan3A_8, %mul3A_49 : i32
      %add3A_51 = arith.addi %mul3A_2, %mul3A_50 : i32
      "tpu.region"() ({
        %run_scoped3A = tpu.sem_alloc : memref<!tpu.dma_semaphore, #tpu.memory_space<semaphore_mem>>
        %dma_start3A_52 = arith.constant 0 : i32
        %dma_start3A_53 = tpu.memref_slice %arg8[%add3A_51, %dma_start3A_52] : memref<323584x16xf32, #tpu.memory_space<hbm>> -> memref<128x16xf32, #tpu.memory_space<hbm>>
        %dma_start3A_54 = arith.constant 0 : i32
        %dma_start3A_55 = tpu.memref_slice %arg8[%add3A_51, %dma_start3A_54] : memref<323584x16xf32, #tpu.memory_space<hbm>> -> memref<128x16xf32, #tpu.memory_space<hbm>>
        tpu.enqueue_dma source(%arg13 : memref<128x16xf32, #tpu.memory_space<vmem>>) target(%dma_start3A_55 : memref<128x16xf32, #tpu.memory_space<hbm>>) target_semaphore(%run_scoped3A : memref<!tpu.dma_semaphore, #tpu.memory_space<semaphore_mem>>)
        %dma_wait3A_56 = arith.constant 0 : i32
        %dma_wait3A_57 = tpu.memref_slice %arg8[%add3A_51, %dma_wait3A_56] : memref<323584x16xf32, #tpu.memory_space<hbm>> -> memref<128x16xf32, #tpu.memory_space<hbm>>
        %dma_wait3A_58 = arith.constant 0 : i32
        %dma_wait3A_59 = tpu.memref_slice %arg8[%add3A_51, %dma_wait3A_58] : memref<323584x16xf32, #tpu.memory_space<hbm>> -> memref<128x16xf32, #tpu.memory_space<hbm>>
        tpu.wait_dma2 semaphore(%run_scoped3A : memref<!tpu.dma_semaphore, #tpu.memory_space<semaphore_mem>>) src(%arg13 : memref<128x16xf32, #tpu.memory_space<vmem>>) dst(%dma_wait3A_59 : memref<128x16xf32, #tpu.memory_space<hbm>>)
        tpu.yield
      }) : () -> ()
    }
    %scan3A_7 = arith.constant 79 : i32
    return
  }
}

#map = affine_map<(d0, d1) -> (0, 0)>
#map1 = affine_map<(d0, d1) -> (0, 0, 0)>
module attributes {stable_mosaic.version = 14 : i64} {
  func.func @scatter_k(%arg0: i32, %arg1: i32, %arg2: memref<323584x144xf32, #tpu.memory_space<hbm>>, %arg3: memref<32x79x128xi32, #tpu.memory_space<hbm>>, %arg4: memref<10240x144xf32, #tpu.memory_space<hbm>>, %arg5: memref<2x10240x144xf32, #tpu.memory_space<hbm>>, %arg6: memref<79x128xi32, #tpu.memory_space<vmem>>, %arg7: memref<128x144xf32, #tpu.memory_space<vmem>>, %arg8: memref<10240x144xf32, #tpu.memory_space<vmem_shared>>) attributes {dimension_semantics = [#tpu.dimension_semantics<core_parallel>, #tpu.dimension_semantics<subcore_parallel>], iteration_bounds = array<i64: 2, 16>, scalar_prefetch = 0 : i64, scratch_operands = 3 : i64, tpu.core_type = #tpu.core_type<sc_vector_subcore>, window_params = [{transform_indices = #map}, {transform_indices = #map1}, {transform_indices = #map}, {transform_indices = #map1}]} {
    %mul3A = arith.constant 2 : i32
    %mul3A_0 = arith.muli %arg1, %mul3A : i32
    %add3A = arith.addi %mul3A_0, %arg0 : i32
    %mul3A_1 = arith.constant 640 : i32
    %mul3A_2 = arith.muli %arg1, %mul3A_1 : i32
    %mul3A_3 = arith.constant 640 : i32
    %mul3A_4 = arith.muli %arg1, %mul3A_3 : i32
    "tpu.region"() ({
      %run_scoped3A = tpu.sem_alloc : memref<!tpu.dma_semaphore, #tpu.memory_space<semaphore_mem>>
      %dma_start3A = arith.constant 0 : i32
      %dma_start3A_17 = tpu.memref_slice %arg8[%mul3A_4, %dma_start3A] : memref<10240x144xf32, #tpu.memory_space<vmem_shared>> -> memref<640x144xf32, #tpu.memory_space<vmem_shared>>
      %dma_start3A_18 = arith.constant 0 : i32
      %dma_start3A_19 = tpu.memref_slice %arg4[%mul3A_2, %dma_start3A_18] : memref<10240x144xf32, #tpu.memory_space<hbm>> -> memref<640x144xf32, #tpu.memory_space<hbm>>
      tpu.enqueue_dma source(%dma_start3A_19 : memref<640x144xf32, #tpu.memory_space<hbm>>) target(%dma_start3A_17 : memref<640x144xf32, #tpu.memory_space<vmem_shared>>) target_semaphore(%run_scoped3A : memref<!tpu.dma_semaphore, #tpu.memory_space<semaphore_mem>>)
      %dma_wait3A = arith.constant 0 : i32
      %dma_wait3A_20 = tpu.memref_slice %arg8[%mul3A_4, %dma_wait3A] : memref<10240x144xf32, #tpu.memory_space<vmem_shared>> -> memref<640x144xf32, #tpu.memory_space<vmem_shared>>
      %dma_wait3A_21 = arith.constant 0 : i32
      %dma_wait3A_22 = tpu.memref_slice %arg4[%mul3A_2, %dma_wait3A_21] : memref<10240x144xf32, #tpu.memory_space<hbm>> -> memref<640x144xf32, #tpu.memory_space<hbm>>
      tpu.wait_dma2 semaphore(%run_scoped3A : memref<!tpu.dma_semaphore, #tpu.memory_space<semaphore_mem>>) src(%dma_wait3A_22 : memref<640x144xf32, #tpu.memory_space<hbm>>) dst(%dma_wait3A_20 : memref<640x144xf32, #tpu.memory_space<vmem_shared>>)
      tpu.yield
    }) : () -> ()
    "tpu.region"() ({
      %run_scoped3A = tpu.sem_alloc : memref<!tpu.dma_semaphore, #tpu.memory_space<semaphore_mem>>
      %dma_start3A = arith.constant 0 : i32
      %dma_start3A_17 = arith.constant 0 : i32
      %dma_start3A_18 = tpu.memref_slice %arg3[%add3A, %dma_start3A, %dma_start3A_17] : memref<32x79x128xi32, #tpu.memory_space<hbm>> -> memref<1x79x128xi32, #tpu.memory_space<hbm>>
      %dma_start3A_19 = tpu.memref_squeeze %dma_start3A_18 : memref<1x79x128xi32, #tpu.memory_space<hbm>> -> memref<79x128xi32, #tpu.memory_space<hbm>>
      %dma_start3A_20 = arith.constant 0 : i32
      %dma_start3A_21 = arith.constant 0 : i32
      %dma_start3A_22 = tpu.memref_slice %arg3[%add3A, %dma_start3A_20, %dma_start3A_21] : memref<32x79x128xi32, #tpu.memory_space<hbm>> -> memref<1x79x128xi32, #tpu.memory_space<hbm>>
      %dma_start3A_23 = tpu.memref_squeeze %dma_start3A_22 : memref<1x79x128xi32, #tpu.memory_space<hbm>> -> memref<79x128xi32, #tpu.memory_space<hbm>>
      tpu.enqueue_dma source(%dma_start3A_23 : memref<79x128xi32, #tpu.memory_space<hbm>>) target(%arg6 : memref<79x128xi32, #tpu.memory_space<vmem>>) target_semaphore(%run_scoped3A : memref<!tpu.dma_semaphore, #tpu.memory_space<semaphore_mem>>)
      %dma_wait3A = arith.constant 0 : i32
      %dma_wait3A_24 = arith.constant 0 : i32
      %dma_wait3A_25 = tpu.memref_slice %arg3[%add3A, %dma_wait3A, %dma_wait3A_24] : memref<32x79x128xi32, #tpu.memory_space<hbm>> -> memref<1x79x128xi32, #tpu.memory_space<hbm>>
      %dma_wait3A_26 = tpu.memref_squeeze %dma_wait3A_25 : memref<1x79x128xi32, #tpu.memory_space<hbm>> -> memref<79x128xi32, #tpu.memory_space<hbm>>
      %dma_wait3A_27 = arith.constant 0 : i32
      %dma_wait3A_28 = arith.constant 0 : i32
      %dma_wait3A_29 = tpu.memref_slice %arg3[%add3A, %dma_wait3A_27, %dma_wait3A_28] : memref<32x79x128xi32, #tpu.memory_space<hbm>> -> memref<1x79x128xi32, #tpu.memory_space<hbm>>
      %dma_wait3A_30 = tpu.memref_squeeze %dma_wait3A_29 : memref<1x79x128xi32, #tpu.memory_space<hbm>> -> memref<79x128xi32, #tpu.memory_space<hbm>>
      tpu.wait_dma2 semaphore(%run_scoped3A : memref<!tpu.dma_semaphore, #tpu.memory_space<semaphore_mem>>) src(%dma_wait3A_30 : memref<79x128xi32, #tpu.memory_space<hbm>>) dst(%arg6 : memref<79x128xi32, #tpu.memory_space<vmem>>)
      tpu.yield
    }) : () -> ()
    %barrier3A = arith.constant 0 : index
    tpu.barrier barrier_id(%barrier3A)
    %mul3A_5 = arith.constant 10112 : i32
    %mul3A_6 = arith.muli %add3A, %mul3A_5 : i32
    %scan3A = arith.constant 0 : i32
    %scan3A_7 = arith.constant 0 : i32
    %scan3A_8 = arith.constant 79 : i32
    %scan3A_9 = arith.addi %scan3A_7, %scan3A_8 : i32
    %scan3A_10 = arith.constant 1 : i32
    scf.for %scan3A_17 = %scan3A_7 to %scan3A_9 step %scan3A_10  : i32 {
      %mul3A_18 = arith.constant 128 : i32
      %mul3A_19 = arith.muli %scan3A_17, %mul3A_18 : i32
      %add3A_20 = arith.addi %mul3A_6, %mul3A_19 : i32
      "tpu.region"() ({
        %run_scoped3A = tpu.sem_alloc : memref<!tpu.dma_semaphore, #tpu.memory_space<semaphore_mem>>
        %dma_start3A = arith.constant 0 : i32
        %dma_start3A_21 = tpu.memref_slice %arg2[%add3A_20, %dma_start3A] : memref<323584x144xf32, #tpu.memory_space<hbm>> -> memref<128x144xf32, #tpu.memory_space<hbm>>
        %dma_start3A_22 = arith.constant 0 : i32
        %dma_start3A_23 = tpu.memref_slice %arg2[%add3A_20, %dma_start3A_22] : memref<323584x144xf32, #tpu.memory_space<hbm>> -> memref<128x144xf32, #tpu.memory_space<hbm>>
        tpu.enqueue_dma source(%dma_start3A_23 : memref<128x144xf32, #tpu.memory_space<hbm>>) target(%arg7 : memref<128x144xf32, #tpu.memory_space<vmem>>) target_semaphore(%run_scoped3A : memref<!tpu.dma_semaphore, #tpu.memory_space<semaphore_mem>>)
        %dma_wait3A = arith.constant 0 : i32
        %dma_wait3A_24 = tpu.memref_slice %arg2[%add3A_20, %dma_wait3A] : memref<323584x144xf32, #tpu.memory_space<hbm>> -> memref<128x144xf32, #tpu.memory_space<hbm>>
        %dma_wait3A_25 = arith.constant 0 : i32
        %dma_wait3A_26 = tpu.memref_slice %arg2[%add3A_20, %dma_wait3A_25] : memref<323584x144xf32, #tpu.memory_space<hbm>> -> memref<128x144xf32, #tpu.memory_space<hbm>>
        tpu.wait_dma2 semaphore(%run_scoped3A : memref<!tpu.dma_semaphore, #tpu.memory_space<semaphore_mem>>) src(%dma_wait3A_26 : memref<128x144xf32, #tpu.memory_space<hbm>>) dst(%arg7 : memref<128x144xf32, #tpu.memory_space<vmem>>)
        tpu.yield
      }) : () -> ()
      "tpu.region"() ({
        %run_scoped3A = tpu.sem_alloc : memref<!tpu.dma_semaphore, #tpu.memory_space<semaphore_mem>>
        %dma_start3A = arith.constant 0 : i32
        %dma_start3A_21 = tpu.memref_slice %arg6[%scan3A_17, %dma_start3A] : memref<79x128xi32, #tpu.memory_space<vmem>> -> memref<1x128xi32, #tpu.memory_space<vmem>>
        %dma_start3A_22 = tpu.memref_squeeze %dma_start3A_21 : memref<1x128xi32, #tpu.memory_space<vmem>> -> memref<128xi32, #tpu.memory_space<vmem>>
        %dma_start3A_23 = arith.constant 0 : i32
        %dma_start3A_24 = arith.constant 0 : i32
        %dma_start3A_25 = tpu.memref_slice %arg8[%dma_start3A_23, %dma_start3A_24] : memref<10240x144xf32, #tpu.memory_space<vmem_shared>> -> memref<10240x144xf32, #tpu.memory_space<vmem_shared>>
        tpu.enqueue_indirect_dma source(%arg7 : memref<128x144xf32, #tpu.memory_space<vmem>>) target(%dma_start3A_25 : memref<10240x144xf32, #tpu.memory_space<vmem_shared>>) offsets(%dma_start3A_22 : memref<128xi32, #tpu.memory_space<vmem>>) semaphore(%run_scoped3A : memref<!tpu.dma_semaphore, #tpu.memory_space<semaphore_mem>>) {add = true}
        %dma_wait3A = arith.constant 0 : i32
        %dma_wait3A_26 = tpu.memref_slice %arg6[%scan3A_17, %dma_wait3A] : memref<79x128xi32, #tpu.memory_space<vmem>> -> memref<1x128xi32, #tpu.memory_space<vmem>>
        %dma_wait3A_27 = tpu.memref_squeeze %dma_wait3A_26 : memref<1x128xi32, #tpu.memory_space<vmem>> -> memref<128xi32, #tpu.memory_space<vmem>>
        %dma_wait3A_28 = arith.constant 0 : i32
        %dma_wait3A_29 = arith.constant 0 : i32
        %dma_wait3A_30 = tpu.memref_slice %arg8[%dma_wait3A_28, %dma_wait3A_29] : memref<10240x144xf32, #tpu.memory_space<vmem_shared>> -> memref<10240x144xf32, #tpu.memory_space<vmem_shared>>
        tpu.wait_indirect_dma semaphore(%run_scoped3A : memref<!tpu.dma_semaphore, #tpu.memory_space<semaphore_mem>>) src(%arg7 : memref<128x144xf32, #tpu.memory_space<vmem>>) dst(%dma_wait3A_30 : memref<10240x144xf32, #tpu.memory_space<vmem_shared>>)
        tpu.yield
      }) : () -> ()
    }
    %scan3A_11 = arith.constant 79 : i32
    %barrier3A_12 = arith.constant 0 : index
    tpu.barrier barrier_id(%barrier3A_12)
    %mul3A_13 = arith.constant 640 : i32
    %mul3A_14 = arith.muli %arg1, %mul3A_13 : i32
    %mul3A_15 = arith.constant 640 : i32
    %mul3A_16 = arith.muli %arg1, %mul3A_15 : i32
    "tpu.region"() ({
      %run_scoped3A = tpu.sem_alloc : memref<!tpu.dma_semaphore, #tpu.memory_space<semaphore_mem>>
      %dma_start3A = arith.constant 0 : i32
      %dma_start3A_17 = tpu.memref_slice %arg5[%arg0, %mul3A_16, %dma_start3A] : memref<2x10240x144xf32, #tpu.memory_space<hbm>> -> memref<1x640x144xf32, #tpu.memory_space<hbm>>
      %dma_start3A_18 = tpu.memref_squeeze %dma_start3A_17 : memref<1x640x144xf32, #tpu.memory_space<hbm>> -> memref<640x144xf32, #tpu.memory_space<hbm>>
      %dma_start3A_19 = arith.constant 0 : i32
      %dma_start3A_20 = tpu.memref_slice %arg8[%mul3A_14, %dma_start3A_19] : memref<10240x144xf32, #tpu.memory_space<vmem_shared>> -> memref<640x144xf32, #tpu.memory_space<vmem_shared>>
      tpu.enqueue_dma source(%dma_start3A_20 : memref<640x144xf32, #tpu.memory_space<vmem_shared>>) target(%dma_start3A_18 : memref<640x144xf32, #tpu.memory_space<hbm>>) target_semaphore(%run_scoped3A : memref<!tpu.dma_semaphore, #tpu.memory_space<semaphore_mem>>)
      %dma_wait3A = arith.constant 0 : i32
      %dma_wait3A_21 = tpu.memref_slice %arg5[%arg0, %mul3A_16, %dma_wait3A] : memref<2x10240x144xf32, #tpu.memory_space<hbm>> -> memref<1x640x144xf32, #tpu.memory_space<hbm>>
      %dma_wait3A_22 = tpu.memref_squeeze %dma_wait3A_21 : memref<1x640x144xf32, #tpu.memory_space<hbm>> -> memref<640x144xf32, #tpu.memory_space<hbm>>
      %dma_wait3A_23 = arith.constant 0 : i32
      %dma_wait3A_24 = tpu.memref_slice %arg8[%mul3A_14, %dma_wait3A_23] : memref<10240x144xf32, #tpu.memory_space<vmem_shared>> -> memref<640x144xf32, #tpu.memory_space<vmem_shared>>
      tpu.wait_dma2 semaphore(%run_scoped3A : memref<!tpu.dma_semaphore, #tpu.memory_space<semaphore_mem>>) src(%dma_wait3A_24 : memref<640x144xf32, #tpu.memory_space<vmem_shared>>) dst(%dma_wait3A_22 : memref<640x144xf32, #tpu.memory_space<hbm>>)
      tpu.yield
    }) : () -> ()
    return
  }
}

#map = affine_map<(d0, d1) -> (0, 0)>
#map1 = affine_map<(d0, d1) -> (0, 0, 0)>
module attributes {stable_mosaic.version = 14 : i64} {
  func.func @scatter_k(%arg0: i32, %arg1: i32, %arg2: memref<323584x144xf32, #tpu.memory_space<hbm>>, %arg3: memref<32x79x128xi32, #tpu.memory_space<hbm>>, %arg4: memref<10240x144xf32, #tpu.memory_space<hbm>>, %arg5: memref<2x10240x144xf32, #tpu.memory_space<hbm>>, %arg6: memref<79x128xi32, #tpu.memory_space<vmem>>, %arg7: memref<128x144xf32, #tpu.memory_space<vmem>>, %arg8: memref<10240x144xf32, #tpu.memory_space<vmem_shared>>) attributes {dimension_semantics = [#tpu.dimension_semantics<core_parallel>, #tpu.dimension_semantics<subcore_parallel>], iteration_bounds = array<i64: 2, 16>, scalar_prefetch = 0 : i64, scratch_operands = 3 : i64, tpu.core_type = #tpu.core_type<sc_vector_subcore>, window_params = [{transform_indices = #map}, {transform_indices = #map1}, {transform_indices = #map}, {transform_indices = #map1}]} {
    %mul3A = arith.constant 2 : i32
    %mul3A_0 = arith.muli %arg1, %mul3A : i32
    %add3A = arith.addi %mul3A_0, %arg0 : i32
    %mul3A_1 = arith.constant 640 : i32
    %mul3A_2 = arith.muli %arg1, %mul3A_1 : i32
    %mul3A_3 = arith.constant 640 : i32
    %mul3A_4 = arith.muli %arg1, %mul3A_3 : i32
    "tpu.region"() ({
      %run_scoped3A = tpu.sem_alloc : memref<!tpu.dma_semaphore, #tpu.memory_space<semaphore_mem>>
      %dma_start3A = arith.constant 0 : i32
      %dma_start3A_17 = tpu.memref_slice %arg8[%mul3A_4, %dma_start3A] : memref<10240x144xf32, #tpu.memory_space<vmem_shared>> -> memref<640x144xf32, #tpu.memory_space<vmem_shared>>
      %dma_start3A_18 = arith.constant 0 : i32
      %dma_start3A_19 = tpu.memref_slice %arg4[%mul3A_2, %dma_start3A_18] : memref<10240x144xf32, #tpu.memory_space<hbm>> -> memref<640x144xf32, #tpu.memory_space<hbm>>
      tpu.enqueue_dma source(%dma_start3A_19 : memref<640x144xf32, #tpu.memory_space<hbm>>) target(%dma_start3A_17 : memref<640x144xf32, #tpu.memory_space<vmem_shared>>) target_semaphore(%run_scoped3A : memref<!tpu.dma_semaphore, #tpu.memory_space<semaphore_mem>>)
      %dma_wait3A = arith.constant 0 : i32
      %dma_wait3A_20 = tpu.memref_slice %arg8[%mul3A_4, %dma_wait3A] : memref<10240x144xf32, #tpu.memory_space<vmem_shared>> -> memref<640x144xf32, #tpu.memory_space<vmem_shared>>
      %dma_wait3A_21 = arith.constant 0 : i32
      %dma_wait3A_22 = tpu.memref_slice %arg4[%mul3A_2, %dma_wait3A_21] : memref<10240x144xf32, #tpu.memory_space<hbm>> -> memref<640x144xf32, #tpu.memory_space<hbm>>
      tpu.wait_dma2 semaphore(%run_scoped3A : memref<!tpu.dma_semaphore, #tpu.memory_space<semaphore_mem>>) src(%dma_wait3A_22 : memref<640x144xf32, #tpu.memory_space<hbm>>) dst(%dma_wait3A_20 : memref<640x144xf32, #tpu.memory_space<vmem_shared>>)
      tpu.yield
    }) : () -> ()
    "tpu.region"() ({
      %run_scoped3A = tpu.sem_alloc : memref<!tpu.dma_semaphore, #tpu.memory_space<semaphore_mem>>
      %dma_start3A = arith.constant 0 : i32
      %dma_start3A_17 = arith.constant 0 : i32
      %dma_start3A_18 = tpu.memref_slice %arg3[%add3A, %dma_start3A, %dma_start3A_17] : memref<32x79x128xi32, #tpu.memory_space<hbm>> -> memref<1x79x128xi32, #tpu.memory_space<hbm>>
      %dma_start3A_19 = tpu.memref_squeeze %dma_start3A_18 : memref<1x79x128xi32, #tpu.memory_space<hbm>> -> memref<79x128xi32, #tpu.memory_space<hbm>>
      %dma_start3A_20 = arith.constant 0 : i32
      %dma_start3A_21 = arith.constant 0 : i32
      %dma_start3A_22 = tpu.memref_slice %arg3[%add3A, %dma_start3A_20, %dma_start3A_21] : memref<32x79x128xi32, #tpu.memory_space<hbm>> -> memref<1x79x128xi32, #tpu.memory_space<hbm>>
      %dma_start3A_23 = tpu.memref_squeeze %dma_start3A_22 : memref<1x79x128xi32, #tpu.memory_space<hbm>> -> memref<79x128xi32, #tpu.memory_space<hbm>>
      tpu.enqueue_dma source(%dma_start3A_23 : memref<79x128xi32, #tpu.memory_space<hbm>>) target(%arg6 : memref<79x128xi32, #tpu.memory_space<vmem>>) target_semaphore(%run_scoped3A : memref<!tpu.dma_semaphore, #tpu.memory_space<semaphore_mem>>)
      %dma_wait3A = arith.constant 0 : i32
      %dma_wait3A_24 = arith.constant 0 : i32
      %dma_wait3A_25 = tpu.memref_slice %arg3[%add3A, %dma_wait3A, %dma_wait3A_24] : memref<32x79x128xi32, #tpu.memory_space<hbm>> -> memref<1x79x128xi32, #tpu.memory_space<hbm>>
      %dma_wait3A_26 = tpu.memref_squeeze %dma_wait3A_25 : memref<1x79x128xi32, #tpu.memory_space<hbm>> -> memref<79x128xi32, #tpu.memory_space<hbm>>
      %dma_wait3A_27 = arith.constant 0 : i32
      %dma_wait3A_28 = arith.constant 0 : i32
      %dma_wait3A_29 = tpu.memref_slice %arg3[%add3A, %dma_wait3A_27, %dma_wait3A_28] : memref<32x79x128xi32, #tpu.memory_space<hbm>> -> memref<1x79x128xi32, #tpu.memory_space<hbm>>
      %dma_wait3A_30 = tpu.memref_squeeze %dma_wait3A_29 : memref<1x79x128xi32, #tpu.memory_space<hbm>> -> memref<79x128xi32, #tpu.memory_space<hbm>>
      tpu.wait_dma2 semaphore(%run_scoped3A : memref<!tpu.dma_semaphore, #tpu.memory_space<semaphore_mem>>) src(%dma_wait3A_30 : memref<79x128xi32, #tpu.memory_space<hbm>>) dst(%arg6 : memref<79x128xi32, #tpu.memory_space<vmem>>)
      tpu.yield
    }) : () -> ()
    %barrier3A = arith.constant 0 : index
    tpu.barrier barrier_id(%barrier3A)
    %mul3A_5 = arith.constant 10112 : i32
    %mul3A_6 = arith.muli %add3A, %mul3A_5 : i32
    %scan3A = arith.constant 0 : i32
    %scan3A_7 = arith.constant 0 : i32
    %scan3A_8 = arith.constant 79 : i32
    %scan3A_9 = arith.addi %scan3A_7, %scan3A_8 : i32
    %scan3A_10 = arith.constant 1 : i32
    scf.for %scan3A_17 = %scan3A_7 to %scan3A_9 step %scan3A_10  : i32 {
      %mul3A_18 = arith.constant 128 : i32
      %mul3A_19 = arith.muli %scan3A_17, %mul3A_18 : i32
      %add3A_20 = arith.addi %mul3A_6, %mul3A_19 : i32
      "tpu.region"() ({
        %run_scoped3A = tpu.sem_alloc : memref<!tpu.dma_semaphore, #tpu.memory_space<semaphore_mem>>
        %dma_start3A = arith.constant 0 : i32
        %dma_start3A_21 = tpu.memref_slice %arg2[%add3A_20, %dma_start3A] : memref<323584x144xf32, #tpu.memory_space<hbm>> -> memref<128x144xf32, #tpu.memory_space<hbm>>
        %dma_start3A_22 = arith.constant 0 : i32
        %dma_start3A_23 = tpu.memref_slice %arg2[%add3A_20, %dma_start3A_22] : memref<323584x144xf32, #tpu.memory_space<hbm>> -> memref<128x144xf32, #tpu.memory_space<hbm>>
        tpu.enqueue_dma source(%dma_start3A_23 : memref<128x144xf32, #tpu.memory_space<hbm>>) target(%arg7 : memref<128x144xf32, #tpu.memory_space<vmem>>) target_semaphore(%run_scoped3A : memref<!tpu.dma_semaphore, #tpu.memory_space<semaphore_mem>>)
        %dma_wait3A = arith.constant 0 : i32
        %dma_wait3A_24 = tpu.memref_slice %arg2[%add3A_20, %dma_wait3A] : memref<323584x144xf32, #tpu.memory_space<hbm>> -> memref<128x144xf32, #tpu.memory_space<hbm>>
        %dma_wait3A_25 = arith.constant 0 : i32
        %dma_wait3A_26 = tpu.memref_slice %arg2[%add3A_20, %dma_wait3A_25] : memref<323584x144xf32, #tpu.memory_space<hbm>> -> memref<128x144xf32, #tpu.memory_space<hbm>>
        tpu.wait_dma2 semaphore(%run_scoped3A : memref<!tpu.dma_semaphore, #tpu.memory_space<semaphore_mem>>) src(%dma_wait3A_26 : memref<128x144xf32, #tpu.memory_space<hbm>>) dst(%arg7 : memref<128x144xf32, #tpu.memory_space<vmem>>)
        tpu.yield
      }) : () -> ()
      "tpu.region"() ({
        %run_scoped3A = tpu.sem_alloc : memref<!tpu.dma_semaphore, #tpu.memory_space<semaphore_mem>>
        %dma_start3A = arith.constant 0 : i32
        %dma_start3A_21 = tpu.memref_slice %arg6[%scan3A_17, %dma_start3A] : memref<79x128xi32, #tpu.memory_space<vmem>> -> memref<1x128xi32, #tpu.memory_space<vmem>>
        %dma_start3A_22 = tpu.memref_squeeze %dma_start3A_21 : memref<1x128xi32, #tpu.memory_space<vmem>> -> memref<128xi32, #tpu.memory_space<vmem>>
        %dma_start3A_23 = arith.constant 0 : i32
        %dma_start3A_24 = arith.constant 0 : i32
        %dma_start3A_25 = tpu.memref_slice %arg8[%dma_start3A_23, %dma_start3A_24] : memref<10240x144xf32, #tpu.memory_space<vmem_shared>> -> memref<10240x144xf32, #tpu.memory_space<vmem_shared>>
        tpu.enqueue_indirect_dma source(%arg7 : memref<128x144xf32, #tpu.memory_space<vmem>>) target(%dma_start3A_25 : memref<10240x144xf32, #tpu.memory_space<vmem_shared>>) offsets(%dma_start3A_22 : memref<128xi32, #tpu.memory_space<vmem>>) semaphore(%run_scoped3A : memref<!tpu.dma_semaphore, #tpu.memory_space<semaphore_mem>>) {add = true}
        %dma_wait3A = arith.constant 0 : i32
        %dma_wait3A_26 = tpu.memref_slice %arg6[%scan3A_17, %dma_wait3A] : memref<79x128xi32, #tpu.memory_space<vmem>> -> memref<1x128xi32, #tpu.memory_space<vmem>>
        %dma_wait3A_27 = tpu.memref_squeeze %dma_wait3A_26 : memref<1x128xi32, #tpu.memory_space<vmem>> -> memref<128xi32, #tpu.memory_space<vmem>>
        %dma_wait3A_28 = arith.constant 0 : i32
        %dma_wait3A_29 = arith.constant 0 : i32
        %dma_wait3A_30 = tpu.memref_slice %arg8[%dma_wait3A_28, %dma_wait3A_29] : memref<10240x144xf32, #tpu.memory_space<vmem_shared>> -> memref<10240x144xf32, #tpu.memory_space<vmem_shared>>
        tpu.wait_indirect_dma semaphore(%run_scoped3A : memref<!tpu.dma_semaphore, #tpu.memory_space<semaphore_mem>>) src(%arg7 : memref<128x144xf32, #tpu.memory_space<vmem>>) dst(%dma_wait3A_30 : memref<10240x144xf32, #tpu.memory_space<vmem_shared>>)
        tpu.yield
      }) : () -> ()
    }
    %scan3A_11 = arith.constant 79 : i32
    %barrier3A_12 = arith.constant 0 : index
    tpu.barrier barrier_id(%barrier3A_12)
    %mul3A_13 = arith.constant 640 : i32
    %mul3A_14 = arith.muli %arg1, %mul3A_13 : i32
    %mul3A_15 = arith.constant 640 : i32
    %mul3A_16 = arith.muli %arg1, %mul3A_15 : i32
    "tpu.region"() ({
      %run_scoped3A = tpu.sem_alloc : memref<!tpu.dma_semaphore, #tpu.memory_space<semaphore_mem>>
      %dma_start3A = arith.constant 0 : i32
      %dma_start3A_17 = tpu.memref_slice %arg5[%arg0, %mul3A_16, %dma_start3A] : memref<2x10240x144xf32, #tpu.memory_space<hbm>> -> memref<1x640x144xf32, #tpu.memory_space<hbm>>
      %dma_start3A_18 = tpu.memref_squeeze %dma_start3A_17 : memref<1x640x144xf32, #tpu.memory_space<hbm>> -> memref<640x144xf32, #tpu.memory_space<hbm>>
      %dma_start3A_19 = arith.constant 0 : i32
      %dma_start3A_20 = tpu.memref_slice %arg8[%mul3A_14, %dma_start3A_19] : memref<10240x144xf32, #tpu.memory_space<vmem_shared>> -> memref<640x144xf32, #tpu.memory_space<vmem_shared>>
      tpu.enqueue_dma source(%dma_start3A_20 : memref<640x144xf32, #tpu.memory_space<vmem_shared>>) target(%dma_start3A_18 : memref<640x144xf32, #tpu.memory_space<hbm>>) target_semaphore(%run_scoped3A : memref<!tpu.dma_semaphore, #tpu.memory_space<semaphore_mem>>)
      %dma_wait3A = arith.constant 0 : i32
      %dma_wait3A_21 = tpu.memref_slice %arg5[%arg0, %mul3A_16, %dma_wait3A] : memref<2x10240x144xf32, #tpu.memory_space<hbm>> -> memref<1x640x144xf32, #tpu.memory_space<hbm>>
      %dma_wait3A_22 = tpu.memref_squeeze %dma_wait3A_21 : memref<1x640x144xf32, #tpu.memory_space<hbm>> -> memref<640x144xf32, #tpu.memory_space<hbm>>
      %dma_wait3A_23 = arith.constant 0 : i32
      %dma_wait3A_24 = tpu.memref_slice %arg8[%mul3A_14, %dma_wait3A_23] : memref<10240x144xf32, #tpu.memory_space<vmem_shared>> -> memref<640x144xf32, #tpu.memory_space<vmem_shared>>
      tpu.wait_dma2 semaphore(%run_scoped3A : memref<!tpu.dma_semaphore, #tpu.memory_space<semaphore_mem>>) src(%dma_wait3A_24 : memref<640x144xf32, #tpu.memory_space<vmem_shared>>) dst(%dma_wait3A_22 : memref<640x144xf32, #tpu.memory_space<hbm>>)
      tpu.yield
    }) : () -> ()
    return
  }
}

module attributes {stable_mosaic.version = 14 : i64} {
  func.func @_tables_body(%arg0: i32, %arg1: memref<2560x128xf32, #tpu.memory_space<vmem>>, %arg2: memref<128x32xbf16, #tpu.memory_space<vmem>>, %arg3: memref<2560x32xf32, #tpu.memory_space<vmem>>) attributes {dimension_semantics = [#tpu.dimension_semantics<arbitrary>], iteration_bounds = array<i64: 4>, scalar_prefetch = 0 : i64, scratch_operands = 0 : i64, tpu.core_type = #tpu.core_type<tc>, window_params = [{transform_indices = @transform_0, window_bounds = array<i64: 2560, 128>}, {pipeline_mode = #tpu.pipeline_mode<synchronous>, transform_indices = @transform_1, window_bounds = array<i64: 128, 32>}, {transform_indices = @transform_2, window_bounds = array<i64: 2560, 32>}]} {
    %get3A = arith.constant 0 : index
    %get3A_0 = arith.constant 0 : index
    %get3A_1 = vector.load %arg1[%get3A, %get3A_0] : memref<2560x128xf32, #tpu.memory_space<vmem>>, vector<2560x128xf32>
    %convert_element_type3A = arith.truncf %get3A_1 : vector<2560x128xf32> to vector<2560x128xbf16>
    %get3A_2 = arith.constant 0 : index
    %get3A_3 = arith.constant 0 : index
    %get3A_4 = vector.load %arg2[%get3A_2, %get3A_3] : memref<128x32xbf16, #tpu.memory_space<vmem>>, vector<128x32xbf16>
    %dot_general3A = arith.constant dense<0.000000e+00> : vector<2560x32xf32>
    %dot_general3A_5 = tpu.matmul %convert_element_type3A, %get3A_4, %dot_general3A {dimension_numbers = #tpu.dot_dimension_numbers<[1], [0], [0], [1], [0, 0, 1, 1], [], []>, transpose_lhs_hint = false} : vector<2560x128xbf16>, vector<128x32xbf16>, vector<2560x32xf32> -> vector<2560x32xf32>
    %swap3A = arith.constant 0 : index
    %swap3A_6 = arith.constant 0 : index
    %swap3A_7 = vector.load %arg3[%swap3A, %swap3A_6] : memref<2560x32xf32, #tpu.memory_space<vmem>>, vector<2560x32xf32>
    tpu.vector_store %arg3[%swap3A, %swap3A_6], %dot_general3A_5 {strides = array<i32>} : memref<2560x32xf32, #tpu.memory_space<vmem>>, vector<2560x32xf32>,
    return
  }
  func.func @transform_0(%arg0: i32) -> (i32, i32) {
    %c0_i32 = arith.constant 0 : i32
    %c0_i32_0 = arith.constant 0 : i32
    return %arg0, %c0_i32 : i32, i32
  }
  func.func @transform_1(%arg0: i32) -> (i32, i32) {
    %c0_i32 = arith.constant 0 : i32
    %c0_i32_0 = arith.constant 0 : i32
    %c0_i32_1 = arith.constant 0 : i32
    return %c0_i32, %c0_i32_0 : i32, i32
  }
  func.func @transform_2(%arg0: i32) -> (i32, i32) {
    %c0_i32 = arith.constant 0 : i32
    %c0_i32_0 = arith.constant 0 : i32
    return %arg0, %c0_i32 : i32, i32
  }
}

module attributes {stable_mosaic.version = 14 : i64} {
  func.func @_edge_mlp_body(%arg0: i32, %arg1: memref<4096x32xf32, #tpu.memory_space<vmem>>, %arg2: memref<4096x16xf32, #tpu.memory_space<vmem>>, %arg3: memref<4096x16xf32, #tpu.memory_space<vmem>>, %arg4: memref<16x32xbf16, #tpu.memory_space<vmem>>, %arg5: memref<1x32xf32, #tpu.memory_space<vmem>>, %arg6: memref<32x32xbf16, #tpu.memory_space<vmem>>, %arg7: memref<1x32xf32, #tpu.memory_space<vmem>>, %arg8: memref<32x128xbf16, #tpu.memory_space<vmem>>, %arg9: memref<4096x144xf32, #tpu.memory_space<vmem>>) attributes {dimension_semantics = [#tpu.dimension_semantics<arbitrary>], iteration_bounds = array<i64: 79>, scalar_prefetch = 0 : i64, scratch_operands = 0 : i64, tpu.core_type = #tpu.core_type<tc>, window_params = [{transform_indices = @transform_0, window_bounds = array<i64: 4096, 32>}, {transform_indices = @transform_1, window_bounds = array<i64: 4096, 16>}, {transform_indices = @transform_2, window_bounds = array<i64: 4096, 16>}, {pipeline_mode = #tpu.pipeline_mode<synchronous>, transform_indices = @transform_3, window_bounds = array<i64: 16, 32>}, {pipeline_mode = #tpu.pipeline_mode<synchronous>, transform_indices = @transform_4, window_bounds = array<i64: 1, 32>}, {pipeline_mode = #tpu.pipeline_mode<synchronous>, transform_indices = @transform_5, window_bounds = array<i64: 32, 32>}, {pipeline_mode = #tpu.pipeline_mode<synchronous>, transform_indices = @transform_6, window_bounds = array<i64: 1, 32>}, {pipeline_mode = #tpu.pipeline_mode<synchronous>, transform_indices = @transform_7, window_bounds = array<i64: 32, 128>}, {transform_indices = @transform_8, window_bounds = array<i64: 4096, 144>}]} {
    %get3A = arith.constant 0 : index
    %get3A_0 = arith.constant 0 : index
    %get3A_1 = vector.load %arg2[%get3A, %get3A_0] : memref<4096x16xf32, #tpu.memory_space<vmem>>, vector<4096x16xf32>
    %get3A_2 = arith.constant 0 : index
    %get3A_3 = arith.constant 0 : index
    %get3A_4 = vector.load %arg3[%get3A_2, %get3A_3] : memref<4096x16xf32, #tpu.memory_space<vmem>>, vector<4096x16xf32>
    %sub3A = arith.subf %get3A_1, %get3A_4 : vector<4096x16xf32>
    %get3A_5 = arith.constant 0 : index
    %get3A_6 = arith.constant 0 : index
    %get3A_7 = vector.load %arg1[%get3A_5, %get3A_6] : memref<4096x32xf32, #tpu.memory_space<vmem>>, vector<4096x32xf32>
    %convert_element_type3A = arith.truncf %sub3A : vector<4096x16xf32> to vector<4096x16xbf16>
    %get3A_8 = arith.constant 0 : index
    %get3A_9 = arith.constant 0 : index
    %get3A_10 = vector.load %arg4[%get3A_8, %get3A_9] : memref<16x32xbf16, #tpu.memory_space<vmem>>, vector<16x32xbf16>
    %dot_general3A = arith.constant dense<0.000000e+00> : vector<4096x32xf32>
    %dot_general3A_11 = tpu.matmul %convert_element_type3A, %get3A_10, %dot_general3A {dimension_numbers = #tpu.dot_dimension_numbers<[1], [0], [0], [1], [0, 0, 1, 1], [], []>, transpose_lhs_hint = false} : vector<4096x16xbf16>, vector<16x32xbf16>, vector<4096x32xf32> -> vector<4096x32xf32>
    %add3A = arith.addf %get3A_7, %dot_general3A_11 : vector<4096x32xf32>
    %get3A_12 = arith.constant 0 : index
    %get3A_13 = arith.constant 0 : index
    %get3A_14 = vector.load %arg5[%get3A_12, %get3A_13] : memref<1x32xf32, #tpu.memory_space<vmem>>, vector<1x32xf32>
    %add3A_15 = vector.broadcast %get3A_14 : vector<1x32xf32> to vector<4096x32xf32>
    %add3A_16 = arith.addf %add3A, %add3A_15 : vector<4096x32xf32>
    %max3A = arith.constant 0.000000e+00 : f32
    %max3A_17 = vector.broadcast %max3A : f32 to vector<4096x32xf32>
    %max3A_18 = arith.maximumf %add3A_16, %max3A_17 : vector<4096x32xf32>
    %convert_element_type3A_19 = arith.truncf %max3A_18 : vector<4096x32xf32> to vector<4096x32xbf16>
    %get3A_20 = arith.constant 0 : index
    %get3A_21 = arith.constant 0 : index
    %get3A_22 = vector.load %arg6[%get3A_20, %get3A_21] : memref<32x32xbf16, #tpu.memory_space<vmem>>, vector<32x32xbf16>
    %dot_general3A_23 = arith.constant dense<0.000000e+00> : vector<4096x32xf32>
    %dot_general3A_24 = tpu.matmul %convert_element_type3A_19, %get3A_22, %dot_general3A_23 {dimension_numbers = #tpu.dot_dimension_numbers<[1], [0], [0], [1], [0, 0, 1, 1], [], []>, transpose_lhs_hint = false} : vector<4096x32xbf16>, vector<32x32xbf16>, vector<4096x32xf32> -> vector<4096x32xf32>
    %get3A_25 = arith.constant 0 : index
    %get3A_26 = arith.constant 0 : index
    %get3A_27 = vector.load %arg7[%get3A_25, %get3A_26] : memref<1x32xf32, #tpu.memory_space<vmem>>, vector<1x32xf32>
    %add3A_28 = vector.broadcast %get3A_27 : vector<1x32xf32> to vector<4096x32xf32>
    %add3A_29 = arith.addf %dot_general3A_24, %add3A_28 : vector<4096x32xf32>
    %max3A_30 = arith.constant 0.000000e+00 : f32
    %max3A_31 = vector.broadcast %max3A_30 : f32 to vector<4096x32xf32>
    %max3A_32 = arith.maximumf %add3A_29, %max3A_31 : vector<4096x32xf32>
    %convert_element_type3A_33 = arith.truncf %max3A_32 : vector<4096x32xf32> to vector<4096x32xbf16>
    %get3A_34 = arith.constant 0 : index
    %get3A_35 = arith.constant 0 : index
    %get3A_36 = vector.load %arg8[%get3A_34, %get3A_35] : memref<32x128xbf16, #tpu.memory_space<vmem>>, vector<32x128xbf16>
    %dot_general3A_37 = arith.constant dense<0.000000e+00> : vector<4096x128xf32>
    %dot_general3A_38 = tpu.matmul %convert_element_type3A_33, %get3A_36, %dot_general3A_37 {dimension_numbers = #tpu.dot_dimension_numbers<[1], [0], [0], [1], [0, 0, 1, 1], [], []>, transpose_lhs_hint = false} : vector<4096x32xbf16>, vector<32x128xbf16>, vector<4096x128xf32> -> vector<4096x128xf32>
    %iota3A = tpu.iota {dimensions = array<i32: 1>} : vector<4096x16xi32>
    %eq3A = arith.constant 0 : i32
    %eq3A_39 = vector.broadcast %eq3A : i32 to vector<4096x16xi32>
    %eq3A_40 = arith.cmpi eq, %iota3A, %eq3A_39 : vector<4096x16xi32>
    %jit3A = arith.constant 1.000000e+00 : f32
    %jit3A_41 = arith.constant 0.000000e+00 : f32
    %broadcast_in_dim3A = vector.broadcast %jit3A : f32 to vector<4096x16xf32>
    %broadcast_in_dim3A_42 = vector.broadcast %jit3A_41 : f32 to vector<4096x16xf32>
    %select_n3A = arith.select %eq3A_40, %broadcast_in_dim3A, %broadcast_in_dim3A_42 : vector<4096x16xi1>, vector<4096x16xf32>
    %concatenate3A = tpu.concatenate %dot_general3A_38, %select_n3A in 1 : vector<4096x128xf32>, vector<4096x16xf32> -> vector<4096x144xf32>
    %swap3A = arith.constant 0 : index
    %swap3A_43 = arith.constant 0 : index
    %swap3A_44 = vector.load %arg9[%swap3A, %swap3A_43] : memref<4096x144xf32, #tpu.memory_space<vmem>>, vector<4096x144xf32>
    tpu.vector_store %arg9[%swap3A, %swap3A_43], %concatenate3A {strides = array<i32>} : memref<4096x144xf32, #tpu.memory_space<vmem>>, vector<4096x144xf32>,
    return
  }
  func.func @transform_0(%arg0: i32) -> (i32, i32) {
    %c0_i32 = arith.constant 0 : i32
    %c0_i32_0 = arith.constant 0 : i32
    return %arg0, %c0_i32 : i32, i32
  }
  func.func @transform_1(%arg0: i32) -> (i32, i32) {
    %c0_i32 = arith.constant 0 : i32
    %c0_i32_0 = arith.constant 0 : i32
    return %arg0, %c0_i32 : i32, i32
  }
  func.func @transform_2(%arg0: i32) -> (i32, i32) {
    %c0_i32 = arith.constant 0 : i32
    %c0_i32_0 = arith.constant 0 : i32
    return %arg0, %c0_i32 : i32, i32
  }
  func.func @transform_3(%arg0: i32) -> (i32, i32) {
    %c0_i32 = arith.constant 0 : i32
    %c0_i32_0 = arith.constant 0 : i32
    %c0_i32_1 = arith.constant 0 : i32
    return %c0_i32, %c0_i32_0 : i32, i32
  }
  func.func @transform_4(%arg0: i32) -> (i32, i32) {
    %c0_i32 = arith.constant 0 : i32
    %c0_i32_0 = arith.constant 0 : i32
    %c0_i32_1 = arith.constant 0 : i32
    return %c0_i32, %c0_i32_0 : i32, i32
  }
  func.func @transform_5(%arg0: i32) -> (i32, i32) {
    %c0_i32 = arith.constant 0 : i32
    %c0_i32_0 = arith.constant 0 : i32
    %c0_i32_1 = arith.constant 0 : i32
    return %c0_i32, %c0_i32_0 : i32, i32
  }
  func.func @transform_6(%arg0: i32) -> (i32, i32) {
    %c0_i32 = arith.constant 0 : i32
    %c0_i32_0 = arith.constant 0 : i32
    %c0_i32_1 = arith.constant 0 : i32
    return %c0_i32, %c0_i32_0 : i32, i32
  }
  func.func @transform_7(%arg0: i32) -> (i32, i32) {
    %c0_i32 = arith.constant 0 : i32
    %c0_i32_0 = arith.constant 0 : i32
    %c0_i32_1 = arith.constant 0 : i32
    return %c0_i32, %c0_i32_0 : i32, i32
  }
  func.func @transform_8(%arg0: i32) -> (i32, i32) {
    %c0_i32 = arith.constant 0 : i32
    %c0_i32_0 = arith.constant 0 : i32
    return %arg0, %c0_i32 : i32, i32
  }
}

module attributes {stable_mosaic.version = 14 : i64} {
  func.func @_pre_body(%arg0: i32, %arg1: memref<2000x144xf32, #tpu.memory_space<vmem>>, %arg2: memref<2000x144xf32, #tpu.memory_space<vmem>>, %arg3: memref<2000x128xf32, #tpu.memory_space<vmem>>, %arg4: memref<1x128xf32, #tpu.memory_space<vmem>>, %arg5: memref<128x512xbf16, #tpu.memory_space<vmem>>, %arg6: memref<128x512xbf16, #tpu.memory_space<vmem>>, %arg7: memref<1x512xf32, #tpu.memory_space<vmem>>, %arg8: memref<2000x512xf32, #tpu.memory_space<vmem>>) attributes {dimension_semantics = [#tpu.dimension_semantics<arbitrary>], iteration_bounds = array<i64: 5>, scalar_prefetch = 0 : i64, scratch_operands = 0 : i64, tpu.core_type = #tpu.core_type<tc>, window_params = [{transform_indices = @transform_0, window_bounds = array<i64: 2000, 144>}, {transform_indices = @transform_1, window_bounds = array<i64: 2000, 144>}, {transform_indices = @transform_2, window_bounds = array<i64: 2000, 128>}, {pipeline_mode = #tpu.pipeline_mode<synchronous>, transform_indices = @transform_3, window_bounds = array<i64: 1, 128>}, {pipeline_mode = #tpu.pipeline_mode<synchronous>, transform_indices = @transform_4, window_bounds = array<i64: 128, 512>}, {pipeline_mode = #tpu.pipeline_mode<synchronous>, transform_indices = @transform_5, window_bounds = array<i64: 128, 512>}, {pipeline_mode = #tpu.pipeline_mode<synchronous>, transform_indices = @transform_6, window_bounds = array<i64: 1, 512>}, {transform_indices = @transform_7, window_bounds = array<i64: 2000, 512>}]} {
    %get3A = arith.constant 0 : index
    %get3A_0 = arith.constant 0 : index
    %get3A_1 = vector.load %arg1[%get3A, %get3A_0] : memref<2000x144xf32, #tpu.memory_space<vmem>>, vector<2000x144xf32>
    %get3A_2 = arith.constant 0 : index
    %get3A_3 = arith.constant 0 : index
    %get3A_4 = vector.load %arg2[%get3A_2, %get3A_3] : memref<2000x144xf32, #tpu.memory_space<vmem>>, vector<2000x144xf32>
    %add3A = arith.addf %get3A_1, %get3A_4 : vector<2000x144xf32>
    %slice3A = vector.extract_strided_slice %add3A {offsets = [0, 128], sizes = [2000, 1], strides = [1, 1]} : vector<2000x144xf32> to vector<2000x1xf32>
    %slice3A_5 = vector.extract_strided_slice %add3A {offsets = [0, 0], sizes = [2000, 128], strides = [1, 1]} : vector<2000x144xf32> to vector<2000x128xf32>
    %get3A_6 = arith.constant 0 : index
    %get3A_7 = arith.constant 0 : index
    %get3A_8 = vector.load %arg4[%get3A_6, %get3A_7] : memref<1x128xf32, #tpu.memory_space<vmem>>, vector<1x128xf32>
    %mul3A = vector.broadcast %get3A_8 : vector<1x128xf32> to vector<2000x128xf32>
    %mul3A_9 = vector.broadcast %slice3A : vector<2000x1xf32> to vector<2000x128xf32>
    %mul3A_10 = arith.mulf %mul3A, %mul3A_9 : vector<2000x128xf32>
    %add3A_11 = arith.addf %slice3A_5, %mul3A_10 : vector<2000x128xf32>
    %max3A = arith.constant 1.000000e+00 : f32
    %max3A_12 = vector.broadcast %max3A : f32 to vector<2000x1xf32>
    %max3A_13 = arith.maximumf %slice3A, %max3A_12 : vector<2000x1xf32>
    %div3A = vector.broadcast %max3A_13 : vector<2000x1xf32> to vector<2000x128xf32>
    %div3A_14 = arith.divf %add3A_11, %div3A : vector<2000x128xf32>
    %get3A_15 = arith.constant 0 : index
    %get3A_16 = arith.constant 0 : index
    %get3A_17 = vector.load %arg3[%get3A_15, %get3A_16] : memref<2000x128xf32, #tpu.memory_space<vmem>>, vector<2000x128xf32>
    %convert_element_type3A = arith.truncf %div3A_14 : vector<2000x128xf32> to vector<2000x128xbf16>
    %get3A_18 = arith.constant 0 : index
    %get3A_19 = arith.constant 0 : index
    %get3A_20 = vector.load %arg5[%get3A_18, %get3A_19] : memref<128x512xbf16, #tpu.memory_space<vmem>>, vector<128x512xbf16>
    %dot_general3A = arith.constant dense<0.000000e+00> : vector<2000x512xf32>
    %dot_general3A_21 = tpu.matmul %convert_element_type3A, %get3A_20, %dot_general3A {dimension_numbers = #tpu.dot_dimension_numbers<[1], [0], [0], [1], [0, 0, 1, 1], [], []>, transpose_lhs_hint = false} : vector<2000x128xbf16>, vector<128x512xbf16>, vector<2000x512xf32> -> vector<2000x512xf32>
    %convert_element_type3A_22 = arith.truncf %get3A_17 : vector<2000x128xf32> to vector<2000x128xbf16>
    %get3A_23 = arith.constant 0 : index
    %get3A_24 = arith.constant 0 : index
    %get3A_25 = vector.load %arg6[%get3A_23, %get3A_24] : memref<128x512xbf16, #tpu.memory_space<vmem>>, vector<128x512xbf16>
    %dot_general3A_26 = arith.constant dense<0.000000e+00> : vector<2000x512xf32>
    %dot_general3A_27 = tpu.matmul %convert_element_type3A_22, %get3A_25, %dot_general3A_26 {dimension_numbers = #tpu.dot_dimension_numbers<[1], [0], [0], [1], [0, 0, 1, 1], [], []>, transpose_lhs_hint = false} : vector<2000x128xbf16>, vector<128x512xbf16>, vector<2000x512xf32> -> vector<2000x512xf32>
    %add3A_28 = arith.addf %dot_general3A_21, %dot_general3A_27 : vector<2000x512xf32>
    %get3A_29 = arith.constant 0 : index
    %get3A_30 = arith.constant 0 : index
    %get3A_31 = vector.load %arg7[%get3A_29, %get3A_30] : memref<1x512xf32, #tpu.memory_space<vmem>>, vector<1x512xf32>
    %add3A_32 = vector.broadcast %get3A_31 : vector<1x512xf32> to vector<2000x512xf32>
    %add3A_33 = arith.addf %add3A_28, %add3A_32 : vector<2000x512xf32>
    %swap3A = arith.constant 0 : index
    %swap3A_34 = arith.constant 0 : index
    %swap3A_35 = vector.load %arg8[%swap3A, %swap3A_34] : memref<2000x512xf32, #tpu.memory_space<vmem>>, vector<2000x512xf32>
    tpu.vector_store %arg8[%swap3A, %swap3A_34], %add3A_33 {strides = array<i32>} : memref<2000x512xf32, #tpu.memory_space<vmem>>, vector<2000x512xf32>,
    return
  }
  func.func @transform_0(%arg0: i32) -> (i32, i32) {
    %c0_i32 = arith.constant 0 : i32
    %c0_i32_0 = arith.constant 0 : i32
    return %arg0, %c0_i32 : i32, i32
  }
  func.func @transform_1(%arg0: i32) -> (i32, i32) {
    %c0_i32 = arith.constant 0 : i32
    %c0_i32_0 = arith.constant 0 : i32
    return %arg0, %c0_i32 : i32, i32
  }
  func.func @transform_2(%arg0: i32) -> (i32, i32) {
    %c0_i32 = arith.constant 0 : i32
    %c0_i32_0 = arith.constant 0 : i32
    return %arg0, %c0_i32 : i32, i32
  }
  func.func @transform_3(%arg0: i32) -> (i32, i32) {
    %c0_i32 = arith.constant 0 : i32
    %c0_i32_0 = arith.constant 0 : i32
    %c0_i32_1 = arith.constant 0 : i32
    return %c0_i32, %c0_i32_0 : i32, i32
  }
  func.func @transform_4(%arg0: i32) -> (i32, i32) {
    %c0_i32 = arith.constant 0 : i32
    %c0_i32_0 = arith.constant 0 : i32
    %c0_i32_1 = arith.constant 0 : i32
    return %c0_i32, %c0_i32_0 : i32, i32
  }
  func.func @transform_5(%arg0: i32) -> (i32, i32) {
    %c0_i32 = arith.constant 0 : i32
    %c0_i32_0 = arith.constant 0 : i32
    %c0_i32_1 = arith.constant 0 : i32
    return %c0_i32, %c0_i32_0 : i32, i32
  }
  func.func @transform_6(%arg0: i32) -> (i32, i32) {
    %c0_i32 = arith.constant 0 : i32
    %c0_i32_0 = arith.constant 0 : i32
    %c0_i32_1 = arith.constant 0 : i32
    return %c0_i32, %c0_i32_0 : i32, i32
  }
  func.func @transform_7(%arg0: i32) -> (i32, i32) {
    %c0_i32 = arith.constant 0 : i32
    %c0_i32_0 = arith.constant 0 : i32
    return %arg0, %c0_i32 : i32, i32
  }
}

module attributes {stable_mosaic.version = 14 : i64} {
  func.func @_scan_body(%arg0: i32, %arg1: memref<1000x512xf32, #tpu.memory_space<vmem>>, %arg2: memref<128x1024xbf16, #tpu.memory_space<vmem>>, %arg3: memref<128x512xbf16, #tpu.memory_space<vmem>>, %arg4: memref<1x512xf32, #tpu.memory_space<vmem>>, %arg5: memref<1000x128xf32, #tpu.memory_space<vmem>>, %arg6: memref<8x128xf32, #tpu.memory_space<vmem>>, %arg7: memref<8x128xf32, #tpu.memory_space<vmem>>, %arg8: memref<8x128xf32, #tpu.memory_space<vmem>>, %arg9: memref<8x128xf32, #tpu.memory_space<vmem>>) attributes {dimension_semantics = [#tpu.dimension_semantics<arbitrary>], iteration_bounds = array<i64: 10>, scalar_prefetch = 0 : i64, scratch_operands = 4 : i64, tpu.core_type = #tpu.core_type<tc>, window_params = [{transform_indices = @transform_0, window_bounds = array<i64: 1000, 512>}, {pipeline_mode = #tpu.pipeline_mode<synchronous>, transform_indices = @transform_1, window_bounds = array<i64: 128, 1024>}, {pipeline_mode = #tpu.pipeline_mode<synchronous>, transform_indices = @transform_2, window_bounds = array<i64: 128, 512>}, {pipeline_mode = #tpu.pipeline_mode<synchronous>, transform_indices = @transform_3, window_bounds = array<i64: 1, 512>}, {transform_indices = @transform_4, window_bounds = array<i64: 1000, 128>}]} {
    %eq3A = arith.constant 0 : i32
    %eq3A_0 = arith.cmpi eq, %arg0, %eq3A : i32
    %convert_element_type3A = arith.extui %eq3A_0 : i1 to i32
    %cond3A = arith.constant 0 : i32
    %cond3A_1 = arith.cmpi ne, %convert_element_type3A, %cond3A : i32
    scf.if %cond3A_1 {
      %broadcast_in_dim3A = arith.constant 0.000000e+00 : f32
      %broadcast_in_dim3A_115 = vector.broadcast %broadcast_in_dim3A : f32 to vector<8x128xf32>
      %swap3A_116 = arith.constant 0 : index
      %swap3A_117 = arith.constant 0 : index
      %swap3A_118 = vector.load %arg6[%swap3A_116, %swap3A_117] : memref<8x128xf32, #tpu.memory_space<vmem>>, vector<8x128xf32>
      tpu.vector_store %arg6[%swap3A_116, %swap3A_117], %broadcast_in_dim3A_115 {strides = array<i32>} : memref<8x128xf32, #tpu.memory_space<vmem>>, vector<8x128xf32>,
      %swap3A_119 = arith.constant 0 : index
      %swap3A_120 = arith.constant 0 : index
      %swap3A_121 = vector.load %arg7[%swap3A_119, %swap3A_120] : memref<8x128xf32, #tpu.memory_space<vmem>>, vector<8x128xf32>
      tpu.vector_store %arg7[%swap3A_119, %swap3A_120], %broadcast_in_dim3A_115 {strides = array<i32>} : memref<8x128xf32, #tpu.memory_space<vmem>>, vector<8x128xf32>,
      %swap3A_122 = arith.constant 0 : index
      %swap3A_123 = arith.constant 0 : index
      %swap3A_124 = vector.load %arg8[%swap3A_122, %swap3A_123] : memref<8x128xf32, #tpu.memory_space<vmem>>, vector<8x128xf32>
      tpu.vector_store %arg8[%swap3A_122, %swap3A_123], %broadcast_in_dim3A_115 {strides = array<i32>} : memref<8x128xf32, #tpu.memory_space<vmem>>, vector<8x128xf32>,
      %swap3A_125 = arith.constant 0 : index
      %swap3A_126 = arith.constant 0 : index
      %swap3A_127 = vector.load %arg9[%swap3A_125, %swap3A_126] : memref<8x128xf32, #tpu.memory_space<vmem>>, vector<8x128xf32>
      tpu.vector_store %arg9[%swap3A_125, %swap3A_126], %broadcast_in_dim3A_115 {strides = array<i32>} : memref<8x128xf32, #tpu.memory_space<vmem>>, vector<8x128xf32>,
    } else {
    }
    %get3A = arith.constant 0 : index
    %get3A_2 = arith.constant 0 : index
    %get3A_3 = vector.load %arg4[%get3A, %get3A_2] : memref<1x512xf32, #tpu.memory_space<vmem>>, vector<1x512xf32>
    %get3A_4 = arith.constant 0 : index
    %get3A_5 = arith.constant 0 : index
    %get3A_6 = vector.load %arg6[%get3A_4, %get3A_5] : memref<8x128xf32, #tpu.memory_space<vmem>>, vector<1x128xf32>
    %get3A_7 = arith.constant 0 : index
    %get3A_8 = arith.constant 0 : index
    %get3A_9 = vector.load %arg7[%get3A_7, %get3A_8] : memref<8x128xf32, #tpu.memory_space<vmem>>, vector<1x128xf32>
    %get3A_10 = arith.constant 0 : index
    %get3A_11 = arith.constant 0 : index
    %get3A_12 = vector.load %arg8[%get3A_10, %get3A_11] : memref<8x128xf32, #tpu.memory_space<vmem>>, vector<1x128xf32>
    %get3A_13 = arith.constant 0 : index
    %get3A_14 = arith.constant 0 : index
    %get3A_15 = vector.load %arg9[%get3A_13, %get3A_14] : memref<8x128xf32, #tpu.memory_space<vmem>>, vector<1x128xf32>
    %scan3A = arith.constant 0 : i32
    %scan3A_16 = arith.constant 1000 : i32
    %scan3A_17 = arith.addi %scan3A, %scan3A_16 : i32
    %scan3A_18 = arith.constant 2 : i32
    %scan3A_19:4 = scf.for %scan3A_115 = %scan3A to %scan3A_17 step %scan3A_18 iter_args(%scan3A_116 = %get3A_6, %scan3A_117 = %get3A_9, %scan3A_118 = %get3A_12, %scan3A_119 = %get3A_15) -> (vector<1x128xf32>, vector<1x128xf32>, vector<1x128xf32>, vector<1x128xf32>)  : i32 {
      %min3A_120 = arith.constant 999 : i32
      %min3A_121 = arith.minsi %scan3A_115, %min3A_120 : i32
      %get3A_122 = arith.index_cast %min3A_121 : i32 to index
      %get3A_123 = arith.constant 0 : index
      %get3A_124 = vector.load %arg1[%get3A_122, %get3A_123] : memref<1000x512xf32, #tpu.memory_space<vmem>>, vector<1x512xf32>
      %convert_element_type3A_125 = arith.truncf %scan3A_116 : vector<1x128xf32> to vector<1x128xbf16>
      %get3A_126 = arith.constant 0 : index
      %get3A_127 = arith.constant 0 : index
      %get3A_128 = vector.load %arg2[%get3A_126, %get3A_127] : memref<128x1024xbf16, #tpu.memory_space<vmem>>, vector<128x1024xbf16>
      %dot_general3A_129 = arith.constant dense<0.000000e+00> : vector<1x1024xf32>
      %dot_general3A_130 = tpu.matmul %convert_element_type3A_125, %get3A_128, %dot_general3A_129 {dimension_numbers = #tpu.dot_dimension_numbers<[1], [0], [0], [1], [0, 0, 1, 1], [], []>, transpose_lhs_hint = false} : vector<1x128xbf16>, vector<128x1024xbf16>, vector<1x1024xf32> -> vector<1x1024xf32>
      %convert_element_type3A_131 = arith.truncf %scan3A_118 : vector<1x128xf32> to vector<1x128xbf16>
      %get3A_132 = arith.constant 0 : index
      %get3A_133 = arith.constant 0 : index
      %get3A_134 = vector.load %arg3[%get3A_132, %get3A_133] : memref<128x512xbf16, #tpu.memory_space<vmem>>, vector<128x512xbf16>
      %dot_general3A_135 = arith.constant dense<0.000000e+00> : vector<1x512xf32>
      %dot_general3A_136 = tpu.matmul %convert_element_type3A_131, %get3A_134, %dot_general3A_135 {dimension_numbers = #tpu.dot_dimension_numbers<[1], [0], [0], [1], [0, 0, 1, 1], [], []>, transpose_lhs_hint = false} : vector<1x128xbf16>, vector<128x512xbf16>, vector<1x512xf32> -> vector<1x512xf32>
      %slice3A_137 = vector.extract_strided_slice %dot_general3A_130 {offsets = [0, 0], sizes = [1, 512], strides = [1, 1]} : vector<1x1024xf32> to vector<1x512xf32>
      %add3A_138 = arith.addf %get3A_124, %slice3A_137 : vector<1x512xf32>
      %slice3A_139 = vector.extract_strided_slice %dot_general3A_130 {offsets = [0, 512], sizes = [1, 512], strides = [1, 1]} : vector<1x1024xf32> to vector<1x512xf32>
      %add3A_140 = arith.addf %slice3A_139, %dot_general3A_136 : vector<1x512xf32>
      %add3A_141 = arith.addf %add3A_140, %get3A_3 : vector<1x512xf32>
      %slice3A_142 = vector.extract_strided_slice %add3A_138 {offsets = [0, 128], sizes = [1, 128], strides = [1, 1]} : vector<1x512xf32> to vector<1x128xf32>
      %logistic3A_143 = arith.negf %slice3A_142 : vector<1x128xf32>
      %logistic3A_144 = math.exp %logistic3A_143 : vector<1x128xf32>
      %logistic3A_145 = arith.constant 1.000000e+00 : f32
      %logistic3A_146 = vector.broadcast %logistic3A_145 : f32 to vector<1x128xf32>
      %logistic3A_147 = arith.addf %logistic3A_146, %logistic3A_144 : vector<1x128xf32>
      %logistic3A_148 = arith.divf %logistic3A_146, %logistic3A_147 : vector<1x128xf32>
      %mul3A_149 = arith.mulf %logistic3A_148, %scan3A_117 : vector<1x128xf32>
      %slice3A_150 = vector.extract_strided_slice %add3A_138 {offsets = [0, 0], sizes = [1, 128], strides = [1, 1]} : vector<1x512xf32> to vector<1x128xf32>
      %logistic3A_151 = arith.negf %slice3A_150 : vector<1x128xf32>
      %logistic3A_152 = math.exp %logistic3A_151 : vector<1x128xf32>
      %logistic3A_153 = arith.constant 1.000000e+00 : f32
      %logistic3A_154 = vector.broadcast %logistic3A_153 : f32 to vector<1x128xf32>
      %logistic3A_155 = arith.addf %logistic3A_154, %logistic3A_152 : vector<1x128xf32>
      %logistic3A_156 = arith.divf %logistic3A_154, %logistic3A_155 : vector<1x128xf32>
      %slice3A_157 = vector.extract_strided_slice %add3A_138 {offsets = [0, 256], sizes = [1, 128], strides = [1, 1]} : vector<1x512xf32> to vector<1x128xf32>
      %tanh3A_158 = math.tanh %slice3A_157 : vector<1x128xf32>
      %mul3A_159 = arith.mulf %logistic3A_156, %tanh3A_158 : vector<1x128xf32>
      %add3A_160 = arith.addf %mul3A_149, %mul3A_159 : vector<1x128xf32>
      %slice3A_161 = vector.extract_strided_slice %add3A_138 {offsets = [0, 384], sizes = [1, 128], strides = [1, 1]} : vector<1x512xf32> to vector<1x128xf32>
      %logistic3A_162 = arith.negf %slice3A_161 : vector<1x128xf32>
      %logistic3A_163 = math.exp %logistic3A_162 : vector<1x128xf32>
      %logistic3A_164 = arith.constant 1.000000e+00 : f32
      %logistic3A_165 = vector.broadcast %logistic3A_164 : f32 to vector<1x128xf32>
      %logistic3A_166 = arith.addf %logistic3A_165, %logistic3A_163 : vector<1x128xf32>
      %logistic3A_167 = arith.divf %logistic3A_165, %logistic3A_166 : vector<1x128xf32>
      %tanh3A_168 = math.tanh %add3A_160 : vector<1x128xf32>
      %mul3A_169 = arith.mulf %logistic3A_167, %tanh3A_168 : vector<1x128xf32>
      %slice3A_170 = vector.extract_strided_slice %add3A_141 {offsets = [0, 128], sizes = [1, 128], strides = [1, 1]} : vector<1x512xf32> to vector<1x128xf32>
      %logistic3A_171 = arith.negf %slice3A_170 : vector<1x128xf32>
      %logistic3A_172 = math.exp %logistic3A_171 : vector<1x128xf32>
      %logistic3A_173 = arith.constant 1.000000e+00 : f32
      %logistic3A_174 = vector.broadcast %logistic3A_173 : f32 to vector<1x128xf32>
      %logistic3A_175 = arith.addf %logistic3A_174, %logistic3A_172 : vector<1x128xf32>
      %logistic3A_176 = arith.divf %logistic3A_174, %logistic3A_175 : vector<1x128xf32>
      %mul3A_177 = arith.mulf %logistic3A_176, %scan3A_119 : vector<1x128xf32>
      %slice3A_178 = vector.extract_strided_slice %add3A_141 {offsets = [0, 0], sizes = [1, 128], strides = [1, 1]} : vector<1x512xf32> to vector<1x128xf32>
      %logistic3A_179 = arith.negf %slice3A_178 : vector<1x128xf32>
      %logistic3A_180 = math.exp %logistic3A_179 : vector<1x128xf32>
      %logistic3A_181 = arith.constant 1.000000e+00 : f32
      %logistic3A_182 = vector.broadcast %logistic3A_181 : f32 to vector<1x128xf32>
      %logistic3A_183 = arith.addf %logistic3A_182, %logistic3A_180 : vector<1x128xf32>
      %logistic3A_184 = arith.divf %logistic3A_182, %logistic3A_183 : vector<1x128xf32>
      %slice3A_185 = vector.extract_strided_slice %add3A_141 {offsets = [0, 256], sizes = [1, 128], strides = [1, 1]} : vector<1x512xf32> to vector<1x128xf32>
      %tanh3A_186 = math.tanh %slice3A_185 : vector<1x128xf32>
      %mul3A_187 = arith.mulf %logistic3A_184, %tanh3A_186 : vector<1x128xf32>
      %add3A_188 = arith.addf %mul3A_177, %mul3A_187 : vector<1x128xf32>
      %slice3A_189 = vector.extract_strided_slice %add3A_141 {offsets = [0, 384], sizes = [1, 128], strides = [1, 1]} : vector<1x512xf32> to vector<1x128xf32>
      %logistic3A_190 = arith.negf %slice3A_189 : vector<1x128xf32>
      %logistic3A_191 = math.exp %logistic3A_190 : vector<1x128xf32>
      %logistic3A_192 = arith.constant 1.000000e+00 : f32
      %logistic3A_193 = vector.broadcast %logistic3A_192 : f32 to vector<1x128xf32>
      %logistic3A_194 = arith.addf %logistic3A_193, %logistic3A_191 : vector<1x128xf32>
      %logistic3A_195 = arith.divf %logistic3A_193, %logistic3A_194 : vector<1x128xf32>
      %tanh3A_196 = math.tanh %add3A_188 : vector<1x128xf32>
      %mul3A_197 = arith.mulf %logistic3A_195, %tanh3A_196 : vector<1x128xf32>
      %gt3A_198 = arith.constant 0 : i32
      %gt3A_199 = arith.cmpi sgt, %scan3A_115, %gt3A_198 : i32
      %convert_element_type3A_200 = arith.extui %gt3A_199 : i1 to i32
      %cond3A_201 = arith.constant 0 : i32
      %cond3A_202 = arith.cmpi ne, %convert_element_type3A_200, %cond3A_201 : i32
      scf.if %cond3A_202 {
        %sub3A = arith.constant 1 : i32
        %sub3A_304 = arith.subi %scan3A_115, %sub3A : i32
        %swap3A_305 = arith.index_cast %sub3A_304 : i32 to index
        %swap3A_306 = arith.constant 0 : index
        %swap3A_307 = vector.load %arg5[%swap3A_305, %swap3A_306] : memref<1000x128xf32, #tpu.memory_space<vmem>>, vector<1x128xf32>
        tpu.vector_store %arg5[%swap3A_305, %swap3A_306], %mul3A_197 {strides = array<i32>} : memref<1000x128xf32, #tpu.memory_space<vmem>>, vector<1x128xf32>,
      } else {
      }
      %lt3A_203 = arith.constant 1000 : i32
      %lt3A_204 = arith.cmpi slt, %scan3A_115, %lt3A_203 : i32
      %gt3A_205 = arith.constant 0 : i32
      %gt3A_206 = arith.cmpi sgt, %scan3A_115, %gt3A_205 : i32
      %select_n3A_207 = arith.select %lt3A_204, %mul3A_169, %scan3A_116 : vector<1x128xf32>
      %select_n3A_208 = arith.select %lt3A_204, %add3A_160, %scan3A_117 : vector<1x128xf32>
      %select_n3A_209 = arith.select %gt3A_206, %mul3A_197, %scan3A_118 : vector<1x128xf32>
      %select_n3A_210 = arith.select %gt3A_206, %add3A_188, %scan3A_119 : vector<1x128xf32>
      %scan3A_211 = arith.constant 1 : i32
      %scan3A_212 = arith.addi %scan3A_115, %scan3A_211 : i32
      %min3A_213 = arith.constant 999 : i32
      %min3A_214 = arith.minsi %scan3A_212, %min3A_213 : i32
      %get3A_215 = arith.index_cast %min3A_214 : i32 to index
      %get3A_216 = arith.constant 0 : index
      %get3A_217 = vector.load %arg1[%get3A_215, %get3A_216] : memref<1000x512xf32, #tpu.memory_space<vmem>>, vector<1x512xf32>
      %convert_element_type3A_218 = arith.truncf %select_n3A_207 : vector<1x128xf32> to vector<1x128xbf16>
      %get3A_219 = arith.constant 0 : index
      %get3A_220 = arith.constant 0 : index
      %get3A_221 = vector.load %arg2[%get3A_219, %get3A_220] : memref<128x1024xbf16, #tpu.memory_space<vmem>>, vector<128x1024xbf16>
      %dot_general3A_222 = arith.constant dense<0.000000e+00> : vector<1x1024xf32>
      %dot_general3A_223 = tpu.matmul %convert_element_type3A_218, %get3A_221, %dot_general3A_222 {dimension_numbers = #tpu.dot_dimension_numbers<[1], [0], [0], [1], [0, 0, 1, 1], [], []>, transpose_lhs_hint = false} : vector<1x128xbf16>, vector<128x1024xbf16>, vector<1x1024xf32> -> vector<1x1024xf32>
      %convert_element_type3A_224 = arith.truncf %select_n3A_209 : vector<1x128xf32> to vector<1x128xbf16>
      %get3A_225 = arith.constant 0 : index
      %get3A_226 = arith.constant 0 : index
      %get3A_227 = vector.load %arg3[%get3A_225, %get3A_226] : memref<128x512xbf16, #tpu.memory_space<vmem>>, vector<128x512xbf16>
      %dot_general3A_228 = arith.constant dense<0.000000e+00> : vector<1x512xf32>
      %dot_general3A_229 = tpu.matmul %convert_element_type3A_224, %get3A_227, %dot_general3A_228 {dimension_numbers = #tpu.dot_dimension_numbers<[1], [0], [0], [1], [0, 0, 1, 1], [], []>, transpose_lhs_hint = false} : vector<1x128xbf16>, vector<128x512xbf16>, vector<1x512xf32> -> vector<1x512xf32>
      %slice3A_230 = vector.extract_strided_slice %dot_general3A_223 {offsets = [0, 0], sizes = [1, 512], strides = [1, 1]} : vector<1x1024xf32> to vector<1x512xf32>
      %add3A_231 = arith.addf %get3A_217, %slice3A_230 : vector<1x512xf32>
      %slice3A_232 = vector.extract_strided_slice %dot_general3A_223 {offsets = [0, 512], sizes = [1, 512], strides = [1, 1]} : vector<1x1024xf32> to vector<1x512xf32>
      %add3A_233 = arith.addf %slice3A_232, %dot_general3A_229 : vector<1x512xf32>
      %add3A_234 = arith.addf %add3A_233, %get3A_3 : vector<1x512xf32>
      %slice3A_235 = vector.extract_strided_slice %add3A_231 {offsets = [0, 128], sizes = [1, 128], strides = [1, 1]} : vector<1x512xf32> to vector<1x128xf32>
      %logistic3A_236 = arith.negf %slice3A_235 : vector<1x128xf32>
      %logistic3A_237 = math.exp %logistic3A_236 : vector<1x128xf32>
      %logistic3A_238 = arith.constant 1.000000e+00 : f32
      %logistic3A_239 = vector.broadcast %logistic3A_238 : f32 to vector<1x128xf32>
      %logistic3A_240 = arith.addf %logistic3A_239, %logistic3A_237 : vector<1x128xf32>
      %logistic3A_241 = arith.divf %logistic3A_239, %logistic3A_240 : vector<1x128xf32>
      %mul3A_242 = arith.mulf %logistic3A_241, %select_n3A_208 : vector<1x128xf32>
      %slice3A_243 = vector.extract_strided_slice %add3A_231 {offsets = [0, 0], sizes = [1, 128], strides = [1, 1]} : vector<1x512xf32> to vector<1x128xf32>
      %logistic3A_244 = arith.negf %slice3A_243 : vector<1x128xf32>
      %logistic3A_245 = math.exp %logistic3A_244 : vector<1x128xf32>
      %logistic3A_246 = arith.constant 1.000000e+00 : f32
      %logistic3A_247 = vector.broadcast %logistic3A_246 : f32 to vector<1x128xf32>
      %logistic3A_248 = arith.addf %logistic3A_247, %logistic3A_245 : vector<1x128xf32>
      %logistic3A_249 = arith.divf %logistic3A_247, %logistic3A_248 : vector<1x128xf32>
      %slice3A_250 = vector.extract_strided_slice %add3A_231 {offsets = [0, 256], sizes = [1, 128], strides = [1, 1]} : vector<1x512xf32> to vector<1x128xf32>
      %tanh3A_251 = math.tanh %slice3A_250 : vector<1x128xf32>
      %mul3A_252 = arith.mulf %logistic3A_249, %tanh3A_251 : vector<1x128xf32>
      %add3A_253 = arith.addf %mul3A_242, %mul3A_252 : vector<1x128xf32>
      %slice3A_254 = vector.extract_strided_slice %add3A_231 {offsets = [0, 384], sizes = [1, 128], strides = [1, 1]} : vector<1x512xf32> to vector<1x128xf32>
      %logistic3A_255 = arith.negf %slice3A_254 : vector<1x128xf32>
      %logistic3A_256 = math.exp %logistic3A_255 : vector<1x128xf32>
      %logistic3A_257 = arith.constant 1.000000e+00 : f32
      %logistic3A_258 = vector.broadcast %logistic3A_257 : f32 to vector<1x128xf32>
      %logistic3A_259 = arith.addf %logistic3A_258, %logistic3A_256 : vector<1x128xf32>
      %logistic3A_260 = arith.divf %logistic3A_258, %logistic3A_259 : vector<1x128xf32>
      %tanh3A_261 = math.tanh %add3A_253 : vector<1x128xf32>
      %mul3A_262 = arith.mulf %logistic3A_260, %tanh3A_261 : vector<1x128xf32>
      %slice3A_263 = vector.extract_strided_slice %add3A_234 {offsets = [0, 128], sizes = [1, 128], strides = [1, 1]} : vector<1x512xf32> to vector<1x128xf32>
      %logistic3A_264 = arith.negf %slice3A_263 : vector<1x128xf32>
      %logistic3A_265 = math.exp %logistic3A_264 : vector<1x128xf32>
      %logistic3A_266 = arith.constant 1.000000e+00 : f32
      %logistic3A_267 = vector.broadcast %logistic3A_266 : f32 to vector<1x128xf32>
      %logistic3A_268 = arith.addf %logistic3A_267, %logistic3A_265 : vector<1x128xf32>
      %logistic3A_269 = arith.divf %logistic3A_267, %logistic3A_268 : vector<1x128xf32>
      %mul3A_270 = arith.mulf %logistic3A_269, %select_n3A_210 : vector<1x128xf32>
      %slice3A_271 = vector.extract_strided_slice %add3A_234 {offsets = [0, 0], sizes = [1, 128], strides = [1, 1]} : vector<1x512xf32> to vector<1x128xf32>
      %logistic3A_272 = arith.negf %slice3A_271 : vector<1x128xf32>
      %logistic3A_273 = math.exp %logistic3A_272 : vector<1x128xf32>
      %logistic3A_274 = arith.constant 1.000000e+00 : f32
      %logistic3A_275 = vector.broadcast %logistic3A_274 : f32 to vector<1x128xf32>
      %logistic3A_276 = arith.addf %logistic3A_275, %logistic3A_273 : vector<1x128xf32>
      %logistic3A_277 = arith.divf %logistic3A_275, %logistic3A_276 : vector<1x128xf32>
      %slice3A_278 = vector.extract_strided_slice %add3A_234 {offsets = [0, 256], sizes = [1, 128], strides = [1, 1]} : vector<1x512xf32> to vector<1x128xf32>
      %tanh3A_279 = math.tanh %slice3A_278 : vector<1x128xf32>
      %mul3A_280 = arith.mulf %logistic3A_277, %tanh3A_279 : vector<1x128xf32>
      %add3A_281 = arith.addf %mul3A_270, %mul3A_280 : vector<1x128xf32>
      %slice3A_282 = vector.extract_strided_slice %add3A_234 {offsets = [0, 384], sizes = [1, 128], strides = [1, 1]} : vector<1x512xf32> to vector<1x128xf32>
      %logistic3A_283 = arith.negf %slice3A_282 : vector<1x128xf32>
      %logistic3A_284 = math.exp %logistic3A_283 : vector<1x128xf32>
      %logistic3A_285 = arith.constant 1.000000e+00 : f32
      %logistic3A_286 = vector.broadcast %logistic3A_285 : f32 to vector<1x128xf32>
      %logistic3A_287 = arith.addf %logistic3A_286, %logistic3A_284 : vector<1x128xf32>
      %logistic3A_288 = arith.divf %logistic3A_286, %logistic3A_287 : vector<1x128xf32>
      %tanh3A_289 = math.tanh %add3A_281 : vector<1x128xf32>
      %mul3A_290 = arith.mulf %logistic3A_288, %tanh3A_289 : vector<1x128xf32>
      %gt3A_291 = arith.constant 0 : i32
      %gt3A_292 = arith.cmpi sgt, %scan3A_212, %gt3A_291 : i32
      %convert_element_type3A_293 = arith.extui %gt3A_292 : i1 to i32
      %cond3A_294 = arith.constant 0 : i32
      %cond3A_295 = arith.cmpi ne, %convert_element_type3A_293, %cond3A_294 : i32
      scf.if %cond3A_295 {
        %sub3A = arith.constant 1 : i32
        %sub3A_304 = arith.subi %scan3A_212, %sub3A : i32
        %swap3A_305 = arith.index_cast %sub3A_304 : i32 to index
        %swap3A_306 = arith.constant 0 : index
        %swap3A_307 = vector.load %arg5[%swap3A_305, %swap3A_306] : memref<1000x128xf32, #tpu.memory_space<vmem>>, vector<1x128xf32>
        tpu.vector_store %arg5[%swap3A_305, %swap3A_306], %mul3A_290 {strides = array<i32>} : memref<1000x128xf32, #tpu.memory_space<vmem>>, vector<1x128xf32>,
      } else {
      }
      %lt3A_296 = arith.constant 1000 : i32
      %lt3A_297 = arith.cmpi slt, %scan3A_212, %lt3A_296 : i32
      %gt3A_298 = arith.constant 0 : i32
      %gt3A_299 = arith.cmpi sgt, %scan3A_212, %gt3A_298 : i32
      %select_n3A_300 = arith.select %lt3A_297, %mul3A_262, %select_n3A_207 : vector<1x128xf32>
      %select_n3A_301 = arith.select %lt3A_297, %add3A_253, %select_n3A_208 : vector<1x128xf32>
      %select_n3A_302 = arith.select %gt3A_299, %mul3A_290, %select_n3A_209 : vector<1x128xf32>
      %select_n3A_303 = arith.select %gt3A_299, %add3A_281, %select_n3A_210 : vector<1x128xf32>
      scf.yield %select_n3A_300, %select_n3A_301, %select_n3A_302, %select_n3A_303 : vector<1x128xf32>, vector<1x128xf32>, vector<1x128xf32>, vector<1x128xf32>
    }
    %scan3A_20 = arith.constant 1000 : i32
    %scan3A_21 = arith.addi %scan3A, %scan3A_20 : i32
    %min3A = arith.constant 999 : i32
    %min3A_22 = arith.minsi %scan3A_21, %min3A : i32
    %get3A_23 = arith.index_cast %min3A_22 : i32 to index
    %get3A_24 = arith.constant 0 : index
    %get3A_25 = vector.load %arg1[%get3A_23, %get3A_24] : memref<1000x512xf32, #tpu.memory_space<vmem>>, vector<1x512xf32>
    %convert_element_type3A_26 = arith.truncf %scan3A_19#0 : vector<1x128xf32> to vector<1x128xbf16>
    %get3A_27 = arith.constant 0 : index
    %get3A_28 = arith.constant 0 : index
    %get3A_29 = vector.load %arg2[%get3A_27, %get3A_28] : memref<128x1024xbf16, #tpu.memory_space<vmem>>, vector<128x1024xbf16>
    %dot_general3A = arith.constant dense<0.000000e+00> : vector<1x1024xf32>
    %dot_general3A_30 = tpu.matmul %convert_element_type3A_26, %get3A_29, %dot_general3A {dimension_numbers = #tpu.dot_dimension_numbers<[1], [0], [0], [1], [0, 0, 1, 1], [], []>, transpose_lhs_hint = false} : vector<1x128xbf16>, vector<128x1024xbf16>, vector<1x1024xf32> -> vector<1x1024xf32>
    %convert_element_type3A_31 = arith.truncf %scan3A_19#2 : vector<1x128xf32> to vector<1x128xbf16>
    %get3A_32 = arith.constant 0 : index
    %get3A_33 = arith.constant 0 : index
    %get3A_34 = vector.load %arg3[%get3A_32, %get3A_33] : memref<128x512xbf16, #tpu.memory_space<vmem>>, vector<128x512xbf16>
    %dot_general3A_35 = arith.constant dense<0.000000e+00> : vector<1x512xf32>
    %dot_general3A_36 = tpu.matmul %convert_element_type3A_31, %get3A_34, %dot_general3A_35 {dimension_numbers = #tpu.dot_dimension_numbers<[1], [0], [0], [1], [0, 0, 1, 1], [], []>, transpose_lhs_hint = false} : vector<1x128xbf16>, vector<128x512xbf16>, vector<1x512xf32> -> vector<1x512xf32>
    %slice3A = vector.extract_strided_slice %dot_general3A_30 {offsets = [0, 0], sizes = [1, 512], strides = [1, 1]} : vector<1x1024xf32> to vector<1x512xf32>
    %add3A = arith.addf %get3A_25, %slice3A : vector<1x512xf32>
    %slice3A_37 = vector.extract_strided_slice %dot_general3A_30 {offsets = [0, 512], sizes = [1, 512], strides = [1, 1]} : vector<1x1024xf32> to vector<1x512xf32>
    %add3A_38 = arith.addf %slice3A_37, %dot_general3A_36 : vector<1x512xf32>
    %add3A_39 = arith.addf %add3A_38, %get3A_3 : vector<1x512xf32>
    %slice3A_40 = vector.extract_strided_slice %add3A {offsets = [0, 128], sizes = [1, 128], strides = [1, 1]} : vector<1x512xf32> to vector<1x128xf32>
    %logistic3A = arith.negf %slice3A_40 : vector<1x128xf32>
    %logistic3A_41 = math.exp %logistic3A : vector<1x128xf32>
    %logistic3A_42 = arith.constant 1.000000e+00 : f32
    %logistic3A_43 = vector.broadcast %logistic3A_42 : f32 to vector<1x128xf32>
    %logistic3A_44 = arith.addf %logistic3A_43, %logistic3A_41 : vector<1x128xf32>
    %logistic3A_45 = arith.divf %logistic3A_43, %logistic3A_44 : vector<1x128xf32>
    %mul3A = arith.mulf %logistic3A_45, %scan3A_19#1 : vector<1x128xf32>
    %slice3A_46 = vector.extract_strided_slice %add3A {offsets = [0, 0], sizes = [1, 128], strides = [1, 1]} : vector<1x512xf32> to vector<1x128xf32>
    %logistic3A_47 = arith.negf %slice3A_46 : vector<1x128xf32>
    %logistic3A_48 = math.exp %logistic3A_47 : vector<1x128xf32>
    %logistic3A_49 = arith.constant 1.000000e+00 : f32
    %logistic3A_50 = vector.broadcast %logistic3A_49 : f32 to vector<1x128xf32>
    %logistic3A_51 = arith.addf %logistic3A_50, %logistic3A_48 : vector<1x128xf32>
    %logistic3A_52 = arith.divf %logistic3A_50, %logistic3A_51 : vector<1x128xf32>
    %slice3A_53 = vector.extract_strided_slice %add3A {offsets = [0, 256], sizes = [1, 128], strides = [1, 1]} : vector<1x512xf32> to vector<1x128xf32>
    %tanh3A = math.tanh %slice3A_53 : vector<1x128xf32>
    %mul3A_54 = arith.mulf %logistic3A_52, %tanh3A : vector<1x128xf32>
    %add3A_55 = arith.addf %mul3A, %mul3A_54 : vector<1x128xf32>
    %slice3A_56 = vector.extract_strided_slice %add3A {offsets = [0, 384], sizes = [1, 128], strides = [1, 1]} : vector<1x512xf32> to vector<1x128xf32>
    %logistic3A_57 = arith.negf %slice3A_56 : vector<1x128xf32>
    %logistic3A_58 = math.exp %logistic3A_57 : vector<1x128xf32>
    %logistic3A_59 = arith.constant 1.000000e+00 : f32
    %logistic3A_60 = vector.broadcast %logistic3A_59 : f32 to vector<1x128xf32>
    %logistic3A_61 = arith.addf %logistic3A_60, %logistic3A_58 : vector<1x128xf32>
    %logistic3A_62 = arith.divf %logistic3A_60, %logistic3A_61 : vector<1x128xf32>
    %tanh3A_63 = math.tanh %add3A_55 : vector<1x128xf32>
    %mul3A_64 = arith.mulf %logistic3A_62, %tanh3A_63 : vector<1x128xf32>
    %slice3A_65 = vector.extract_strided_slice %add3A_39 {offsets = [0, 128], sizes = [1, 128], strides = [1, 1]} : vector<1x512xf32> to vector<1x128xf32>
    %logistic3A_66 = arith.negf %slice3A_65 : vector<1x128xf32>
    %logistic3A_67 = math.exp %logistic3A_66 : vector<1x128xf32>
    %logistic3A_68 = arith.constant 1.000000e+00 : f32
    %logistic3A_69 = vector.broadcast %logistic3A_68 : f32 to vector<1x128xf32>
    %logistic3A_70 = arith.addf %logistic3A_69, %logistic3A_67 : vector<1x128xf32>
    %logistic3A_71 = arith.divf %logistic3A_69, %logistic3A_70 : vector<1x128xf32>
    %mul3A_72 = arith.mulf %logistic3A_71, %scan3A_19#3 : vector<1x128xf32>
    %slice3A_73 = vector.extract_strided_slice %add3A_39 {offsets = [0, 0], sizes = [1, 128], strides = [1, 1]} : vector<1x512xf32> to vector<1x128xf32>
    %logistic3A_74 = arith.negf %slice3A_73 : vector<1x128xf32>
    %logistic3A_75 = math.exp %logistic3A_74 : vector<1x128xf32>
    %logistic3A_76 = arith.constant 1.000000e+00 : f32
    %logistic3A_77 = vector.broadcast %logistic3A_76 : f32 to vector<1x128xf32>
    %logistic3A_78 = arith.addf %logistic3A_77, %logistic3A_75 : vector<1x128xf32>
    %logistic3A_79 = arith.divf %logistic3A_77, %logistic3A_78 : vector<1x128xf32>
    %slice3A_80 = vector.extract_strided_slice %add3A_39 {offsets = [0, 256], sizes = [1, 128], strides = [1, 1]} : vector<1x512xf32> to vector<1x128xf32>
    %tanh3A_81 = math.tanh %slice3A_80 : vector<1x128xf32>
    %mul3A_82 = arith.mulf %logistic3A_79, %tanh3A_81 : vector<1x128xf32>
    %add3A_83 = arith.addf %mul3A_72, %mul3A_82 : vector<1x128xf32>
    %slice3A_84 = vector.extract_strided_slice %add3A_39 {offsets = [0, 384], sizes = [1, 128], strides = [1, 1]} : vector<1x512xf32> to vector<1x128xf32>
    %logistic3A_85 = arith.negf %slice3A_84 : vector<1x128xf32>
    %logistic3A_86 = math.exp %logistic3A_85 : vector<1x128xf32>
    %logistic3A_87 = arith.constant 1.000000e+00 : f32
    %logistic3A_88 = vector.broadcast %logistic3A_87 : f32 to vector<1x128xf32>
    %logistic3A_89 = arith.addf %logistic3A_88, %logistic3A_86 : vector<1x128xf32>
    %logistic3A_90 = arith.divf %logistic3A_88, %logistic3A_89 : vector<1x128xf32>
    %tanh3A_91 = math.tanh %add3A_83 : vector<1x128xf32>
    %mul3A_92 = arith.mulf %logistic3A_90, %tanh3A_91 : vector<1x128xf32>
    %gt3A = arith.constant 0 : i32
    %gt3A_93 = arith.cmpi sgt, %scan3A_21, %gt3A : i32
    %convert_element_type3A_94 = arith.extui %gt3A_93 : i1 to i32
    %cond3A_95 = arith.constant 0 : i32
    %cond3A_96 = arith.cmpi ne, %convert_element_type3A_94, %cond3A_95 : i32
    scf.if %cond3A_96 {
      %sub3A = arith.constant 1 : i32
      %sub3A_115 = arith.subi %scan3A_21, %sub3A : i32
      %swap3A_116 = arith.index_cast %sub3A_115 : i32 to index
      %swap3A_117 = arith.constant 0 : index
      %swap3A_118 = vector.load %arg5[%swap3A_116, %swap3A_117] : memref<1000x128xf32, #tpu.memory_space<vmem>>, vector<1x128xf32>
      tpu.vector_store %arg5[%swap3A_116, %swap3A_117], %mul3A_92 {strides = array<i32>} : memref<1000x128xf32, #tpu.memory_space<vmem>>, vector<1x128xf32>,
    } else {
    }
    %lt3A = arith.constant 1000 : i32
    %lt3A_97 = arith.cmpi slt, %scan3A_21, %lt3A : i32
    %gt3A_98 = arith.constant 0 : i32
    %gt3A_99 = arith.cmpi sgt, %scan3A_21, %gt3A_98 : i32
    %select_n3A = arith.select %lt3A_97, %mul3A_64, %scan3A_19#0 : vector<1x128xf32>
    %select_n3A_100 = arith.select %lt3A_97, %add3A_55, %scan3A_19#1 : vector<1x128xf32>
    %select_n3A_101 = arith.select %gt3A_99, %mul3A_92, %scan3A_19#2 : vector<1x128xf32>
    %select_n3A_102 = arith.select %gt3A_99, %add3A_83, %scan3A_19#3 : vector<1x128xf32>
    %scan3A_103 = arith.constant 1001 : i32
    %swap3A = arith.constant 0 : index
    %swap3A_104 = arith.constant 0 : index
    %swap3A_105 = vector.load %arg6[%swap3A, %swap3A_104] : memref<8x128xf32, #tpu.memory_space<vmem>>, vector<1x128xf32>
    tpu.vector_store %arg6[%swap3A, %swap3A_104], %select_n3A {strides = array<i32>} : memref<8x128xf32, #tpu.memory_space<vmem>>, vector<1x128xf32>,
    %swap3A_106 = arith.constant 0 : index
    %swap3A_107 = arith.constant 0 : index
    %swap3A_108 = vector.load %arg7[%swap3A_106, %swap3A_107] : memref<8x128xf32, #tpu.memory_space<vmem>>, vector<1x128xf32>
    tpu.vector_store %arg7[%swap3A_106, %swap3A_107], %select_n3A_100 {strides = array<i32>} : memref<8x128xf32, #tpu.memory_space<vmem>>, vector<1x128xf32>,
    %swap3A_109 = arith.constant 0 : index
    %swap3A_110 = arith.constant 0 : index
    %swap3A_111 = vector.load %arg8[%swap3A_109, %swap3A_110] : memref<8x128xf32, #tpu.memory_space<vmem>>, vector<1x128xf32>
    tpu.vector_store %arg8[%swap3A_109, %swap3A_110], %select_n3A_101 {strides = array<i32>} : memref<8x128xf32, #tpu.memory_space<vmem>>, vector<1x128xf32>,
    %swap3A_112 = arith.constant 0 : index
    %swap3A_113 = arith.constant 0 : index
    %swap3A_114 = vector.load %arg9[%swap3A_112, %swap3A_113] : memref<8x128xf32, #tpu.memory_space<vmem>>, vector<1x128xf32>
    tpu.vector_store %arg9[%swap3A_112, %swap3A_113], %select_n3A_102 {strides = array<i32>} : memref<8x128xf32, #tpu.memory_space<vmem>>, vector<1x128xf32>,
    return
  }
  func.func @transform_0(%arg0: i32) -> (i32, i32) {
    %c0_i32 = arith.constant 0 : i32
    %c0_i32_0 = arith.constant 0 : i32
    return %arg0, %c0_i32 : i32, i32
  }
  func.func @transform_1(%arg0: i32) -> (i32, i32) {
    %c0_i32 = arith.constant 0 : i32
    %c0_i32_0 = arith.constant 0 : i32
    %c0_i32_1 = arith.constant 0 : i32
    return %c0_i32, %c0_i32_0 : i32, i32
  }
  func.func @transform_2(%arg0: i32) -> (i32, i32) {
    %c0_i32 = arith.constant 0 : i32
    %c0_i32_0 = arith.constant 0 : i32
    %c0_i32_1 = arith.constant 0 : i32
    return %c0_i32, %c0_i32_0 : i32, i32
  }
  func.func @transform_3(%arg0: i32) -> (i32, i32) {
    %c0_i32 = arith.constant 0 : i32
    %c0_i32_0 = arith.constant 0 : i32
    %c0_i32_1 = arith.constant 0 : i32
    return %c0_i32, %c0_i32_0 : i32, i32
  }
  func.func @transform_4(%arg0: i32) -> (i32, i32) {
    %c0_i32 = arith.constant 0 : i32
    %c0_i32_0 = arith.constant 0 : i32
    return %arg0, %c0_i32 : i32, i32
  }
}

module attributes {stable_mosaic.version = 14 : i64} {
  func.func @_tables_body(%arg0: i32, %arg1: memref<2560x128xf32, #tpu.memory_space<vmem>>, %arg2: memref<128x32xbf16, #tpu.memory_space<vmem>>, %arg3: memref<2560x32xf32, #tpu.memory_space<vmem>>) attributes {dimension_semantics = [#tpu.dimension_semantics<arbitrary>], iteration_bounds = array<i64: 4>, scalar_prefetch = 0 : i64, scratch_operands = 0 : i64, tpu.core_type = #tpu.core_type<tc>, window_params = [{transform_indices = @transform_0, window_bounds = array<i64: 2560, 128>}, {pipeline_mode = #tpu.pipeline_mode<synchronous>, transform_indices = @transform_1, window_bounds = array<i64: 128, 32>}, {transform_indices = @transform_2, window_bounds = array<i64: 2560, 32>}]} {
    %get3A = arith.constant 0 : index
    %get3A_0 = arith.constant 0 : index
    %get3A_1 = vector.load %arg1[%get3A, %get3A_0] : memref<2560x128xf32, #tpu.memory_space<vmem>>, vector<2560x128xf32>
    %max3A = arith.constant 0.000000e+00 : f32
    %max3A_2 = vector.broadcast %max3A : f32 to vector<2560x128xf32>
    %max3A_3 = arith.maximumf %get3A_1, %max3A_2 : vector<2560x128xf32>
    %convert_element_type3A = arith.truncf %max3A_3 : vector<2560x128xf32> to vector<2560x128xbf16>
    %get3A_4 = arith.constant 0 : index
    %get3A_5 = arith.constant 0 : index
    %get3A_6 = vector.load %arg2[%get3A_4, %get3A_5] : memref<128x32xbf16, #tpu.memory_space<vmem>>, vector<128x32xbf16>
    %dot_general3A = arith.constant dense<0.000000e+00> : vector<2560x32xf32>
    %dot_general3A_7 = tpu.matmul %convert_element_type3A, %get3A_6, %dot_general3A {dimension_numbers = #tpu.dot_dimension_numbers<[1], [0], [0], [1], [0, 0, 1, 1], [], []>, transpose_lhs_hint = false} : vector<2560x128xbf16>, vector<128x32xbf16>, vector<2560x32xf32> -> vector<2560x32xf32>
    %swap3A = arith.constant 0 : index
    %swap3A_8 = arith.constant 0 : index
    %swap3A_9 = vector.load %arg3[%swap3A, %swap3A_8] : memref<2560x32xf32, #tpu.memory_space<vmem>>, vector<2560x32xf32>
    tpu.vector_store %arg3[%swap3A, %swap3A_8], %dot_general3A_7 {strides = array<i32>} : memref<2560x32xf32, #tpu.memory_space<vmem>>, vector<2560x32xf32>,
    return
  }
  func.func @transform_0(%arg0: i32) -> (i32, i32) {
    %c0_i32 = arith.constant 0 : i32
    %c0_i32_0 = arith.constant 0 : i32
    return %arg0, %c0_i32 : i32, i32
  }
  func.func @transform_1(%arg0: i32) -> (i32, i32) {
    %c0_i32 = arith.constant 0 : i32
    %c0_i32_0 = arith.constant 0 : i32
    %c0_i32_1 = arith.constant 0 : i32
    return %c0_i32, %c0_i32_0 : i32, i32
  }
  func.func @transform_2(%arg0: i32) -> (i32, i32) {
    %c0_i32 = arith.constant 0 : i32
    %c0_i32_0 = arith.constant 0 : i32
    return %arg0, %c0_i32 : i32, i32
  }
}

module attributes {stable_mosaic.version = 14 : i64} {
  func.func @_pre_body(%arg0: i32, %arg1: memref<2000x144xf32, #tpu.memory_space<vmem>>, %arg2: memref<2000x144xf32, #tpu.memory_space<vmem>>, %arg3: memref<2000x128xf32, #tpu.memory_space<vmem>>, %arg4: memref<1x128xf32, #tpu.memory_space<vmem>>, %arg5: memref<128x512xbf16, #tpu.memory_space<vmem>>, %arg6: memref<128x512xbf16, #tpu.memory_space<vmem>>, %arg7: memref<1x512xf32, #tpu.memory_space<vmem>>, %arg8: memref<2000x512xf32, #tpu.memory_space<vmem>>) attributes {dimension_semantics = [#tpu.dimension_semantics<arbitrary>], iteration_bounds = array<i64: 5>, scalar_prefetch = 0 : i64, scratch_operands = 0 : i64, tpu.core_type = #tpu.core_type<tc>, window_params = [{transform_indices = @transform_0, window_bounds = array<i64: 2000, 144>}, {transform_indices = @transform_1, window_bounds = array<i64: 2000, 144>}, {transform_indices = @transform_2, window_bounds = array<i64: 2000, 128>}, {pipeline_mode = #tpu.pipeline_mode<synchronous>, transform_indices = @transform_3, window_bounds = array<i64: 1, 128>}, {pipeline_mode = #tpu.pipeline_mode<synchronous>, transform_indices = @transform_4, window_bounds = array<i64: 128, 512>}, {pipeline_mode = #tpu.pipeline_mode<synchronous>, transform_indices = @transform_5, window_bounds = array<i64: 128, 512>}, {pipeline_mode = #tpu.pipeline_mode<synchronous>, transform_indices = @transform_6, window_bounds = array<i64: 1, 512>}, {transform_indices = @transform_7, window_bounds = array<i64: 2000, 512>}]} {
    %get3A = arith.constant 0 : index
    %get3A_0 = arith.constant 0 : index
    %get3A_1 = vector.load %arg1[%get3A, %get3A_0] : memref<2000x144xf32, #tpu.memory_space<vmem>>, vector<2000x144xf32>
    %get3A_2 = arith.constant 0 : index
    %get3A_3 = arith.constant 0 : index
    %get3A_4 = vector.load %arg2[%get3A_2, %get3A_3] : memref<2000x144xf32, #tpu.memory_space<vmem>>, vector<2000x144xf32>
    %add3A = arith.addf %get3A_1, %get3A_4 : vector<2000x144xf32>
    %slice3A = vector.extract_strided_slice %add3A {offsets = [0, 128], sizes = [2000, 1], strides = [1, 1]} : vector<2000x144xf32> to vector<2000x1xf32>
    %slice3A_5 = vector.extract_strided_slice %add3A {offsets = [0, 0], sizes = [2000, 128], strides = [1, 1]} : vector<2000x144xf32> to vector<2000x128xf32>
    %get3A_6 = arith.constant 0 : index
    %get3A_7 = arith.constant 0 : index
    %get3A_8 = vector.load %arg4[%get3A_6, %get3A_7] : memref<1x128xf32, #tpu.memory_space<vmem>>, vector<1x128xf32>
    %mul3A = vector.broadcast %get3A_8 : vector<1x128xf32> to vector<2000x128xf32>
    %mul3A_9 = vector.broadcast %slice3A : vector<2000x1xf32> to vector<2000x128xf32>
    %mul3A_10 = arith.mulf %mul3A, %mul3A_9 : vector<2000x128xf32>
    %add3A_11 = arith.addf %slice3A_5, %mul3A_10 : vector<2000x128xf32>
    %max3A = arith.constant 1.000000e+00 : f32
    %max3A_12 = vector.broadcast %max3A : f32 to vector<2000x1xf32>
    %max3A_13 = arith.maximumf %slice3A, %max3A_12 : vector<2000x1xf32>
    %div3A = vector.broadcast %max3A_13 : vector<2000x1xf32> to vector<2000x128xf32>
    %div3A_14 = arith.divf %add3A_11, %div3A : vector<2000x128xf32>
    %get3A_15 = arith.constant 0 : index
    %get3A_16 = arith.constant 0 : index
    %get3A_17 = vector.load %arg3[%get3A_15, %get3A_16] : memref<2000x128xf32, #tpu.memory_space<vmem>>, vector<2000x128xf32>
    %max3A_18 = arith.constant 0.000000e+00 : f32
    %max3A_19 = vector.broadcast %max3A_18 : f32 to vector<2000x128xf32>
    %max3A_20 = arith.maximumf %get3A_17, %max3A_19 : vector<2000x128xf32>
    %convert_element_type3A = arith.truncf %div3A_14 : vector<2000x128xf32> to vector<2000x128xbf16>
    %get3A_21 = arith.constant 0 : index
    %get3A_22 = arith.constant 0 : index
    %get3A_23 = vector.load %arg5[%get3A_21, %get3A_22] : memref<128x512xbf16, #tpu.memory_space<vmem>>, vector<128x512xbf16>
    %dot_general3A = arith.constant dense<0.000000e+00> : vector<2000x512xf32>
    %dot_general3A_24 = tpu.matmul %convert_element_type3A, %get3A_23, %dot_general3A {dimension_numbers = #tpu.dot_dimension_numbers<[1], [0], [0], [1], [0, 0, 1, 1], [], []>, transpose_lhs_hint = false} : vector<2000x128xbf16>, vector<128x512xbf16>, vector<2000x512xf32> -> vector<2000x512xf32>
    %convert_element_type3A_25 = arith.truncf %max3A_20 : vector<2000x128xf32> to vector<2000x128xbf16>
    %get3A_26 = arith.constant 0 : index
    %get3A_27 = arith.constant 0 : index
    %get3A_28 = vector.load %arg6[%get3A_26, %get3A_27] : memref<128x512xbf16, #tpu.memory_space<vmem>>, vector<128x512xbf16>
    %dot_general3A_29 = arith.constant dense<0.000000e+00> : vector<2000x512xf32>
    %dot_general3A_30 = tpu.matmul %convert_element_type3A_25, %get3A_28, %dot_general3A_29 {dimension_numbers = #tpu.dot_dimension_numbers<[1], [0], [0], [1], [0, 0, 1, 1], [], []>, transpose_lhs_hint = false} : vector<2000x128xbf16>, vector<128x512xbf16>, vector<2000x512xf32> -> vector<2000x512xf32>
    %add3A_31 = arith.addf %dot_general3A_24, %dot_general3A_30 : vector<2000x512xf32>
    %get3A_32 = arith.constant 0 : index
    %get3A_33 = arith.constant 0 : index
    %get3A_34 = vector.load %arg7[%get3A_32, %get3A_33] : memref<1x512xf32, #tpu.memory_space<vmem>>, vector<1x512xf32>
    %add3A_35 = vector.broadcast %get3A_34 : vector<1x512xf32> to vector<2000x512xf32>
    %add3A_36 = arith.addf %add3A_31, %add3A_35 : vector<2000x512xf32>
    %swap3A = arith.constant 0 : index
    %swap3A_37 = arith.constant 0 : index
    %swap3A_38 = vector.load %arg8[%swap3A, %swap3A_37] : memref<2000x512xf32, #tpu.memory_space<vmem>>, vector<2000x512xf32>
    tpu.vector_store %arg8[%swap3A, %swap3A_37], %add3A_36 {strides = array<i32>} : memref<2000x512xf32, #tpu.memory_space<vmem>>, vector<2000x512xf32>,
    return
  }
  func.func @transform_0(%arg0: i32) -> (i32, i32) {
    %c0_i32 = arith.constant 0 : i32
    %c0_i32_0 = arith.constant 0 : i32
    return %arg0, %c0_i32 : i32, i32
  }
  func.func @transform_1(%arg0: i32) -> (i32, i32) {
    %c0_i32 = arith.constant 0 : i32
    %c0_i32_0 = arith.constant 0 : i32
    return %arg0, %c0_i32 : i32, i32
  }
  func.func @transform_2(%arg0: i32) -> (i32, i32) {
    %c0_i32 = arith.constant 0 : i32
    %c0_i32_0 = arith.constant 0 : i32
    return %arg0, %c0_i32 : i32, i32
  }
  func.func @transform_3(%arg0: i32) -> (i32, i32) {
    %c0_i32 = arith.constant 0 : i32
    %c0_i32_0 = arith.constant 0 : i32
    %c0_i32_1 = arith.constant 0 : i32
    return %c0_i32, %c0_i32_0 : i32, i32
  }
  func.func @transform_4(%arg0: i32) -> (i32, i32) {
    %c0_i32 = arith.constant 0 : i32
    %c0_i32_0 = arith.constant 0 : i32
    %c0_i32_1 = arith.constant 0 : i32
    return %c0_i32, %c0_i32_0 : i32, i32
  }
  func.func @transform_5(%arg0: i32) -> (i32, i32) {
    %c0_i32 = arith.constant 0 : i32
    %c0_i32_0 = arith.constant 0 : i32
    %c0_i32_1 = arith.constant 0 : i32
    return %c0_i32, %c0_i32_0 : i32, i32
  }
  func.func @transform_6(%arg0: i32) -> (i32, i32) {
    %c0_i32 = arith.constant 0 : i32
    %c0_i32_0 = arith.constant 0 : i32
    %c0_i32_1 = arith.constant 0 : i32
    return %c0_i32, %c0_i32_0 : i32, i32
  }
  func.func @transform_7(%arg0: i32) -> (i32, i32) {
    %c0_i32 = arith.constant 0 : i32
    %c0_i32_0 = arith.constant 0 : i32
    return %arg0, %c0_i32 : i32, i32
  }
}

module attributes {stable_mosaic.version = 14 : i64} {
  func.func @_head_body(%arg0: i32, %arg1: memref<2000x128xf32, #tpu.memory_space<vmem>>, %arg2: memref<128x128xbf16, #tpu.memory_space<vmem>>, %arg3: memref<1x128xf32, #tpu.memory_space<vmem>>, %arg4: memref<2000x128xf32, #tpu.memory_space<vmem>>) attributes {dimension_semantics = [#tpu.dimension_semantics<arbitrary>], iteration_bounds = array<i64: 5>, scalar_prefetch = 0 : i64, scratch_operands = 0 : i64, tpu.core_type = #tpu.core_type<tc>, window_params = [{transform_indices = @transform_0, window_bounds = array<i64: 2000, 128>}, {pipeline_mode = #tpu.pipeline_mode<synchronous>, transform_indices = @transform_1, window_bounds = array<i64: 128, 128>}, {pipeline_mode = #tpu.pipeline_mode<synchronous>, transform_indices = @transform_2, window_bounds = array<i64: 1, 128>}, {transform_indices = @transform_3, window_bounds = array<i64: 2000, 128>}]} {
    %get3A = arith.constant 0 : index
    %get3A_0 = arith.constant 0 : index
    %get3A_1 = vector.load %arg1[%get3A, %get3A_0] : memref<2000x128xf32, #tpu.memory_space<vmem>>, vector<2000x128xf32>
    %max3A = arith.constant 0.000000e+00 : f32
    %max3A_2 = vector.broadcast %max3A : f32 to vector<2000x128xf32>
    %max3A_3 = arith.maximumf %get3A_1, %max3A_2 : vector<2000x128xf32>
    %convert_element_type3A = arith.truncf %max3A_3 : vector<2000x128xf32> to vector<2000x128xbf16>
    %get3A_4 = arith.constant 0 : index
    %get3A_5 = arith.constant 0 : index
    %get3A_6 = vector.load %arg2[%get3A_4, %get3A_5] : memref<128x128xbf16, #tpu.memory_space<vmem>>, vector<128x128xbf16>
    %dot_general3A = arith.constant dense<0.000000e+00> : vector<2000x128xf32>
    %dot_general3A_7 = tpu.matmul %convert_element_type3A, %get3A_6, %dot_general3A {dimension_numbers = #tpu.dot_dimension_numbers<[1], [0], [0], [1], [0, 0, 1, 1], [], []>, transpose_lhs_hint = false} : vector<2000x128xbf16>, vector<128x128xbf16>, vector<2000x128xf32> -> vector<2000x128xf32>
    %get3A_8 = arith.constant 0 : index
    %get3A_9 = arith.constant 0 : index
    %get3A_10 = vector.load %arg3[%get3A_8, %get3A_9] : memref<1x128xf32, #tpu.memory_space<vmem>>, vector<1x128xf32>
    %add3A = vector.broadcast %get3A_10 : vector<1x128xf32> to vector<2000x128xf32>
    %add3A_11 = arith.addf %dot_general3A_7, %add3A : vector<2000x128xf32>
    %swap3A = arith.constant 0 : index
    %swap3A_12 = arith.constant 0 : index
    %swap3A_13 = vector.load %arg4[%swap3A, %swap3A_12] : memref<2000x128xf32, #tpu.memory_space<vmem>>, vector<2000x128xf32>
    tpu.vector_store %arg4[%swap3A, %swap3A_12], %add3A_11 {strides = array<i32>} : memref<2000x128xf32, #tpu.memory_space<vmem>>, vector<2000x128xf32>,
    return
  }
  func.func @transform_0(%arg0: i32) -> (i32, i32) {
    %c0_i32 = arith.constant 0 : i32
    %c0_i32_0 = arith.constant 0 : i32
    return %arg0, %c0_i32 : i32, i32
  }
  func.func @transform_1(%arg0: i32) -> (i32, i32) {
    %c0_i32 = arith.constant 0 : i32
    %c0_i32_0 = arith.constant 0 : i32
    %c0_i32_1 = arith.constant 0 : i32
    return %c0_i32, %c0_i32_0 : i32, i32
  }
  func.func @transform_2(%arg0: i32) -> (i32, i32) {
    %c0_i32 = arith.constant 0 : i32
    %c0_i32_0 = arith.constant 0 : i32
    %c0_i32_1 = arith.constant 0 : i32
    return %c0_i32, %c0_i32_0 : i32, i32
  }
  func.func @transform_3(%arg0: i32) -> (i32, i32) {
    %c0_i32 = arith.constant 0 : i32
    %c0_i32_0 = arith.constant 0 : i32
    return %arg0, %c0_i32 : i32, i32
  }
}

</mosaic_0001>

<sc_bundles>
// kernel: kernel.15.cloned.1.call-start
scs
__scs_entry_jumppad:
0x0: {  	(pc) =	sbr.rel $0x88, $3  }
0x1: {  	(tag) =	ssettag $0x0;
	lr =	simm.s32 $0x1  }
0x2: {  	[smem:$0x3F8E] =	sst lr;
	_ =	strace $0xD0000000  }
0x3: {  	_ = 	snop  }
0x4: {  	_ = 	snop  }
0x5: {  	_ = 	snop  }
0x6: {  	_ = 	snop  }
0x7: {  	_ = 	snop  }
__scs_overlays_trampoline_lowered:
0x8: {  	[smem:$0x3F9D] =	sst s0  }
0x9: {  	[smem:$0x3F9E] =	sst s1  }
0xa: {  	[smem:$0x3F9F] =	sst s2  }
0xb: {  	[smem:$0x3FA0] =	sst s3  }
0xc: {  	[smem:$0x3FA1] =	sst s4  }
0xd: {  	[smem:$0x3FA2] =	sst s5  }
0xe: {  	[smem:$0x3FA3] =	sst s6  }
0xf: {  	[smem:$0x3FA4] =	sst s7  }
0x10: {  	[smem:$0x3FA5] =	sst s8  }
0x11: {  	[smem:$0x3FA6] =	sst s9;
	s0 =	simm.s32 @!p0 $0x0  }
0x12: {  	s1 =	sld [smem:$0x3F8C];
	s0 =	simm.s32 @p0 $0x1  }
0x13: {  	[smem:$0x3FA7] =	sst s0;
	s0 =	simm.s32 @!p1 $0x0  }
0x14: {  	s2 =	sld [smem:$0x3F8B];
	s0 =	simm.s32 @p1 $0x1  }
0x15: {  	[smem:$0x3FA8] =	sst s0;
	s0 =	simm.s32 @!p2 $0x0  }
0x16: {  	s3 =	sld [smem:$0x3FDB];
	s0 =	simm.s32 @p2 $0x1  }
0x17: {  	s4 =	simm.s32 $0x1BF5;
	[smem:$0x3FAA] =	sst s0  }
0x18: {  	s0 =	sld [smem:$0x3F8D];
	_ =	swait.ge [sflag:s4], $0x0  }
0x19: {  	s7 =	sld [smem:$0x3F8E]  }
0x1a: {  	s8 =	sadd.s32 $0xFFFFE003, lr  }
0x1b: {  	s9 =	sadd.s32 $0xFFFFFEF7, lr;
	s5 =	simm.s32 $0xFFFFFFFF;
	p2 =	slt.u32 s8, $0xFFFFF086  }
0x1c: {  	p1 =	slt.u32 s9, $0xF7A;
	s5 =	simm.s32 @!p2 $0x0  }
0x1d: {  	s5 =	simm.s32 @p1 $0x1;
	p0 =	seq.s32 s7, s2  }
0x1e: {  	s7 =	smul.u32 @!p0 $0xF7A, s2;
	p2 =	seq.s32 @!p0 s5, $0x0  }
0x1f: {  	s9 =	smul.u32 $0xF7A, s1;
	s8 =	simm.s32 @!p0 $0x1BF5;
	p2 =	por !p2, p0  }
0x20: {  	[sflag:s8] =	ssyncset.s32 @!p0 $0xFFFFF086;
	s6 =	sadd.s32 @!p0 s3, s7;
	s7 =	simm.s32 @!p0 $0x108  }
0x21: {  	s3 =	sadd.s32 s3, s9;
	s6 =	sadd.s32 @!p0 $0x88, s6;
	s7 =	simm.s32 @p2 $0x1082  }
0x22: {  	[simem:s7], [sflag:s8] =	dma.local @!p0 [hbm:s6], $0xF7A  }
0x23: {  	s9 =	sor.u32 $0xD0000000, s2;
	s6 =	simm.s32 $0x108;
	_ =	swait.ge @!p0 [sflag:s8], $0x0  }
0x24: {  	s3 =	sadd.s32 $0x88, s3;
	s6 =	simm.s32 @!p1 $0x1082;
	[sflag:s4] =	ssyncset.s32 $0xFFFFF086  }
0x25: {  	[simem:s6], [sflag:s4] =	dma.local [hbm:s3], $0xF7A  }
0x26: {  	[smem:$0x3F8E] =	sst s1;
	(tag) =	ssettag s2;
	_ =	strace s9  }
0x27: {  	s1 =	sld [smem:$0x3F9E]  }
0x28: {  	s2 =	sld [smem:$0x3F9F]  }
0x29: {  	s4 =	sld [smem:$0x3FA1]  }
0x2a: {  	p0 =	seq.s32 s5, $0x0;
	s5 =	sld [smem:$0x3FA2]  }
0x2b: {  	s6 =	sld [smem:$0x3FA3]  }
0x2c: {  	s7 =	sld [smem:$0x3FA4]  }
0x2d: {  	s3 =	simm.s32 $0x108;
	s8 =	sld [smem:$0x3FA5]  }
0x2e: {  	s3 =	simm.s32 @!p0 $0x1082;
	s9 =	sld [smem:$0x3FA6]  }
0x2f: {  	lr =	sadd.s32 s0, s3;
	s0 =	sld [smem:$0x3F9D]  }
0x30: {  	s3 =	sld [smem:$0x3FA0]  }
0x31: {  	[smem:$0x3FA9] =	sst s10  }
0x32: {  	s10 =	sld [smem:$0x3FA7];
	_ =	sdelay $0x3  }
0x33: {  	p0 =	seq.s32 s10, $0x1;
	s10 =	sld [smem:$0x3FA9];
	_ =	sdelay $0x3  }
0x34: {  	[smem:$0x3FA9] =	sst s10  }
0x35: {  	s10 =	sld [smem:$0x3FA8];
	_ =	sdelay $0x3  }
0x36: {  	p1 =	seq.s32 s10, $0x1;
	s10 =	sld [smem:$0x3FA9];
	_ =	sdelay $0x3  }
0x37: {  	[smem:$0x3FA9] =	sst s10  }
0x38: {  	s10 =	sld [smem:$0x3FAA]  }
0x39: {  	_ = 	snop;
	(pc) =	sbr.ind lr, $3  }
0x3a: {  	_ = 	snop  }
0x3b: {  	_ = 	snop  }
0x3c: {  	p2 =	seq.s32 s10, $0x1;
	s10 =	sld [smem:$0x3FA9]  }
0x3d: {  	_ =	shalt  }
0x3e: {  	_ =	shalt  }
0x3f: {  	_ =	shalt  }
0x40: {  	_ =	shalt  }
0x41: {  	_ =	shalt  }
0x42: {  	_ =	shalt  }
0x43: {  	_ =	shalt  }
0x44: {  	_ =	shalt  }
0x45: {  	_ =	shalt  }
0x46: {  	_ =	shalt  }
0x47: {  	_ =	shalt  }
0x48: {  	_ =	shalt  }
0x49: {  	_ =	shalt  }
0x4a: {  	_ =	shalt  }
0x4b: {  	_ =	shalt  }
0x4c: {  	_ =	shalt  }
0x4d: {  	_ =	shalt  }
0x4e: {  	_ =	shalt  }
0x4f: {  	_ =	shalt  }
0x50: {  	_ =	shalt  }
0x51: {  	_ =	shalt  }
0x52: {  	_ =	shalt  }
0x53: {  	_ =	shalt  }
0x54: {  	_ =	shalt  }
0x55: {  	_ =	shalt  }
0x56: {  	_ =	shalt  }
0x57: {  	_ =	shalt  }
0x58: {  	_ =	shalt  }
0x59: {  	_ =	shalt  }
0x5a: {  	_ =	shalt  }
0x5b: {  	_ =	shalt  }
0x5c: {  	_ =	shalt  }
0x5d: {  	_ =	shalt  }
0x5e: {  	_ =	shalt  }
0x5f: {  	_ =	shalt  }
0x60: {  	_ =	shalt  }
0x61: {  	_ =	shalt  }
0x62: {  	_ =	shalt  }
0x63: {  	_ =	shalt  }
0x64: {  	_ =	shalt  }
0x65: {  	_ =	shalt  }
0x66: {  	_ =	shalt  }
0x67: {  	_ =	shalt  }
0x68: {  	_ =	shalt  }
0x69: {  	_ =	shalt  }
0x6a: {  	_ =	shalt  }
0x6b: {  	_ =	shalt  }
0x6c: {  	_ =	shalt  }
0x6d: {  	_ =	shalt  }
0x6e: {  	_ =	shalt  }
0x6f: {  	_ =	shalt  }
0x70: {  	_ =	shalt  }
0x71: {  	_ =	shalt  }
0x72: {  	_ =	shalt  }
0x73: {  	_ =	shalt  }
0x74: {  	_ =	shalt  }
0x75: {  	_ =	shalt  }
0x76: {  	_ =	shalt  }
0x77: {  	_ =	shalt  }
0x78: {  	_ =	shalt  }
0x79: {  	_ =	shalt  }
0x7a: {  	_ =	shalt  }
0x7b: {  	_ =	shalt  }
0x7c: {  	_ =	shalt  }
0x7d: {  	_ =	shalt  }
0x7e: {  	_ =	shalt  }
0x7f: {  	_ =	shalt  }
0x80: {  	_ =	shalt  }
0x81: {  	_ =	shalt  }
0x82: {  	_ =	shalt  }
0x83: {  	_ =	shalt  }
0x84: {  	_ =	shalt  }
0x85: {  	_ =	shalt  }
0x86: {  	_ =	shalt  }
0x87: {  	_ =	shalt  }
.Lfunc_end0:
.L_simem_size_0:
called_computation_lowered:
.L_overlay_start_0:
0x88: {  	s2 =	sld [smem:$0x3FD9]  }
0x89: {  	s3 =	sld [smem:$0x3FFE];
	_ =	sdelay $0x1  }
0x8a: {  	s1 =	srdreg.scid  }
0x8b: {  	s0 =	sand.u32 $0x1, s1  }
0x8c: {  	s16 =	sshll.u32 s0, $0xA;
	s2 =	sadd.s32 s3, s2  }
0x8d: {  	s2 =	sadd.s32 s2, s16  }
0x8e: {  	[smem:$0x3FB5] =	sst s2  }
0x8f: {  	_ = 	snop  }
0x90: {  	(tm) =	ssettm $0x1  }
0x91: {  	s17 =	sld [smem:$0x3FFB];
	_ =	sdelay $0x3  }
0x92: {  	_ =	strace s17  }
0x93: {  	s2 =	sld [smem:$0x3FFC];
	_ =	sdelay $0x3  }
0x94: {  	_ =	strace s2  }
0x95: {  	s2 =	sld [smem:$0x3FFD];
	_ =	sdelay $0x3  }
0x96: {  	_ =	strace s2  }
0x97: {  	_ =	strace $0x8FFFFFFF  }
0x98: {  	s18 =	sld [smem:$0x3FDB];
	_ =	sdelay $0x1  }
0x99: {  	s19 =	simm.s32 $_scs_section_size  }
0x9a: {  	s4 =	simm.s32 $_size__tile_overlayer_lowered;
	s5 =	simm.s32 $_tile_overlayer_lowered  }
0x9b: {  	s22 =	simm.s32 $0x1BFF;
	s21 =	sshll.u32 s5, $0x1;
	s2 =	sadd.s32 s19, s18  }
0x9c: {  	s6 =	simm.s32 $0x0;
	s20 =	sshll.u32 s4, $0x1;
	s4 =	sadd.s32 s21, s2  }
0x9d: {  	[timem:s6], [sflag:s22] =	dma.local [hbm:s4], s20  }
0x9e: {  	_ =	swait.ge [sflag:s22], s20  }
0x9f: {  	s3 =	ssub.s32 $0x0, s20;
	[sflag:s22] =	ssyncset.done $0x0  }
0xa0: {  	[sflag:s22] =	ssyncadd.s32 s3;
	_ =	sdelay $0x1  }
0xa1: {  	s23 =	simm.s32 $0x1B8B  }
0xa2: {  	_ =	swait.ge [sflag:s23], $0x1  }
0xa3: {  	[sflag:s23] =	ssyncset.done $0x0  }
0xa4: {  	s25 =	simm.s32 $0x1B8E;
	s24 =	sld [smem:$0x3FFE];
	[sflag:s23] =	ssyncadd.s32 $0xFFFFFFFF  }
0xa5: {  	s26 =	simm.s32 $execute0_lowered;
	[smem:$0x3FD2] =	sst s25  }
0xa6: {  	s4 =	sshll.u32 s26, $0x1;
	_ =	strace $0x80000046;
	[dreg:$0x1] =	wrdreg $0xFFFFFFFF  }
0xa7: {  	s28 =	simm.s32 $_size_execute0_lowered;
	s2 =	sadd.s32 s2, s4;
	[dreg:$0x0] =	wrdreg $0x0  }
0xa8: {  	s4 =	sshll.u32 s28, $0x1;
	[dreg:$0x2] =	wrdreg s2  }
0xa9: {  	[dreg:$0x3] =	wrdreg s4  }
0xaa: {  	[dreg:$0x4] =	wrdreg $0xC0  }
0xab: {  	_ =	task [dreg:s6], $0x5FFFF  }
0xac: {  	[dreg:$0x1] =	wrdreg $0xFFFFFFFF  }
0xad: {  	[dreg:$0x0] =	wrdreg $0x60  }
0xae: {  	[dreg:$0x2] =	wrdreg s24  }
0xaf: {  	[dreg:$0x3] =	wrdreg $0x9  }
0xb0: {  	_ =	task.clear_ibuf [dreg:s6], $0x4FFFF;
	_ =	strace $0x90000046  }
0xb1: {  	s29 =	simm.s32 $0x9;
	_ =	strace $0x80000048  }
0xb2: {  	_ =	swait.ge [sflag:s29], $0x1  }
0xb3: {  	[sflag:s29] =	ssyncadd.s32 $0xFFFFFFFF  }
0xb4: {  	_ =	strace $0x90000048  }
0xb5: {  	_ =	sfence  }
0xb6: {  	s30 =	sld [smem:$0x0];
	_ =	sdelay $0x2  }
0xb7: {  	s31 =	sshll.u32 s1, $0xD;
	s1 =	sshrl.u32 s1, $0x2  }
0xb8: {  	s3 =	sand.u32 $0x4000, s31;
	s1 =	sadd.s32 s1, s30  }
0xb9: {  	s0 =	sor.u32 s3, s0;
	s1 =	sshll.u32 s1, $0x11  }
0xba: {  	s0 =	sor.u32 s1, s0  }
0xbb: {  	s0 =	sadd.s32 $0x8F2B, s0  }
0xbc: {  	[sflag:s0] =	ssyncadd.remote.s32 $0x1  }
0xbd: {  	_ =	sfence.sel $0xFFFF  }
0xbe: {  	[dreg:$0x0] =	wrdreg $0xFFFFFFFF;
	(pc) =	sbr.abs _section_cstart, $3  }
0xbf: {  	[dreg:$0x1] =	wrdreg $0xFFFFFFFF  }
0xc0: {  	_ =	task.clear_ibuf [dreg:s6], $0x2FFFF;
	_ =	strace $0x9FFFFFFF  }
0xc1: {  	(tm) =	ssettm $0x7FFFFFFF  }
tec
execute0_lowered:
.L_overlay_start_1:
0x0: {  	(tag) =	ssettag $0x1  }
0x1: {  	s1 =	srdreg.scid  }
0x2: {  	s0 =	stileid.u32;
	s5 =	rddreg [dreg:$0x0]  }
0x3: {  	s2 =	simm.s32 $0x0;
	s13 =	simm.s32 $0x80;
	s14 =	simm.s32 $0x4F00  }
0x4: {  	s15 =	simm.s32 $0x5F00;
	s16 =	simm.s32 $0x6700;
	s17 =	simm.s32 $0x1  }
0x5: {  	s18 =	simm.s32 $0x2;
	s19 =	simm.s32 $0x3;
	s20 =	simm.s32 $0x0  }
0x6: {  	s6 =	sand.u32 $0x1, s1;
	s1 =	rddreg [dreg:$0x1];
	s8 =	smul.u32 $0x13C00, s0  }
0x7: {  	s3 =	sshll.u32 s0, $0x1;
	[smem:$0x7FF] =	sst s2;
	s9 =	smul.u32 $0x9E00, s0  }
0x8: {  	s4 =	sadd.s32 $0x27200, s5;
	s3 =	sor.u32 s6, s3;
	s12 =	smul.u32 $0x4F00, s6  }
0x9: {  	_ =	strace $0x80000047;
	s10 =	ssub.s32 $0x2, s6;
	s31 =	smul.u32 $0x9E00, s6  }
0xa: {  	s7 =	smul.u32 $0x2780, s3;
	s3 =	sadd.s32 $0x9600, s5;
	s30 =	sshrl.u32 s10, $0x1  }
0xb: {  	s11 =	sadd.s32 s8, s5;
	s9 =	sadd.s32 s9, s5;
	s8 =	ssub.s32 s10, s30  }
0xc: {  	s9 =	sadd.s32 s12, s9;
	s10 =	sadd.s32 s31, s11;
	s7 =	sshrl.u32 s7, $0x3  }
0xd: {  	s11 =	simm.s32 $0x4;
	s12 =	simm.s32 $0x2780;
	s7 =	sadd.s32 s7, s5  }
0xe: {  	s10 =	sadd.s32 $0x168200, s10;
	s5 =	sadd.s32 $0x1D400, s7;
	s6 =	sadd.s32 $0x13600, s7  }
0xf: {  	s7 =	smax.u32 s8, $0x1;
	s8 =	sadd.s32 $0x2C200, s9;
	s9 =	sadd.s32 $0xCA200, s9  }
.LBB2_1:
0x10: {  	[tilespmem:s2], [sflag:$0x4] =	stream.linear.gather [hbm4b:s5+s2], $0x2780, $0x38;
	[tilespmem:$0x6F00] =	vst v63  }
0x11: {  	_ =	swait.ge [sflag:s11], $0x2780  }
0x12: {  	[sflag:s11] =	ssyncset.done $0x0  }
0x13: {  	[sflag:s11] =	ssyncadd.s32 $0xFFFFD880  }
0x14: {  	[tilespmem:s12], [sflag:$0x4] =	stream.linear.gather [hbm4b:s6+s2], $0x2780, $0x38;
	[tilespmem:$0x6F00] =	vst v63  }
0x15: {  	_ =	swait.ge [sflag:s11], $0x2780  }
0x16: {  	[sflag:s11] =	ssyncset.done $0x0  }
0x17: {  	s21 =	simm.s32 $0x0;
	[sflag:s11] =	ssyncadd.s32 $0xFFFFD880  }
0x18: {  	[tilespmem:s14], [sflag:$0x1] =	stream.indirect.gather [hbm4b:s3+s13], $0x20, s21, s13, $0xb8;
	[tilespmem:$0x6F00] =	vst v63  }
0x19: {  	_ = 	snop  }
0x1a: {  	[tilespmem:s15], [sflag:$0x2] =	stream.indirect.gather [hbm4b:s4+s13], $0x10, s21, s13, $0xb8;
	[tilespmem:$0x6F00] =	vst v63  }
0x1b: {  	s30 =	simm.s32 $0x2780  }
0x1c: {  	[tilespmem:s16], [sflag:$0x3] =	stream.indirect.gather [hbm4b:s4+s13], $0x10, s30, s13, $0xb8;
	[tilespmem:$0x6F00] =	vst v63  }
0x1d: {  	_ =	swait.ge [sflag:s17], $0x1000  }
0x1e: {  	[sflag:s17] =	ssyncset.done $0x0  }
0x1f: {  	[sflag:s17] =	ssyncadd.s32 $0xFFFFF000  }
0x20: {  	_ =	swait.ge [sflag:s18], $0x800  }
0x21: {  	[sflag:s18] =	ssyncset.done $0x0  }
0x22: {  	[sflag:s18] =	ssyncadd.s32 $0xFFFFF800  }
0x23: {  	_ =	swait.ge [sflag:s19], $0x800  }
0x24: {  	[sflag:s19] =	ssyncset.done $0x0  }
0x25: {  	s31 =	sadd.s32 $0x0, s10;
	[sflag:s19] =	ssyncadd.s32 $0xFFFFF800  }
0x26: {  	[hbm4b:s31+s2] =	stream.linear.scatter [tilespmem:s14], [sflag:$0x4], $0x1000, $0x38;
	[tilespmem:$0x6F00] =	vst v63  }
0x27: {  	_ =	swait.ge [sflag:s11], $0x1000  }
0x28: {  	[sflag:s11] =	ssyncset.done $0x0  }
0x29: {  	[sflag:s11] =	ssyncadd.s32 $0xFFFFF000  }
0x2a: {  	[hbm4b:s9+s2] =	stream.linear.scatter [tilespmem:s15], [sflag:$0x4], $0x800, $0x38;
	[tilespmem:$0x6F00] =	vst v63  }
0x2b: {  	_ =	swait.ge [sflag:s11], $0x800  }
0x2c: {  	[sflag:s11] =	ssyncset.done $0x0  }
0x2d: {  	[sflag:s11] =	ssyncadd.s32 $0xFFFFF800  }
0x2e: {  	[hbm4b:s8+s2] =	stream.linear.scatter [tilespmem:s16], [sflag:$0x4], $0x800, $0x38;
	[tilespmem:$0x6F00] =	vst v63  }
0x2f: {  	s23 =	simm.s32 $0x200;
	s24 =	simm.s32 $0x400;
	_ =	swait.ge [sflag:s11], $0x800  }
0x30: {  	s22 =	sadd.s32 $0x100, s9;
	s21 =	sadd.s32 $0x100, s8;
	[sflag:s11] =	ssyncset.done $0x0  }
.LBB2_2:
0x31: {  	s25 =	sshra.s32 s23, $0x2  }
0x32: {  	[sflag:s11] =	ssyncadd.s32 $0xFFFFF800;
	s26 =	smov.u32 s24;
	s28 =	sadd.s32 $0x200, s24  }
0x33: {  	[tilespmem:s14], [sflag:$0x1] =	stream.indirect.gather [hbm4b:s3+s13], $0x20, s25, s13, $0xb8;
	[tilespmem:$0x6F00] =	vst v63  }
0x34: {  	p0 =	sne.s32 s24, $0x9C00  }
0x35: {  	[tilespmem:s15], [sflag:$0x2] =	stream.indirect.gather [hbm4b:s4+s13], $0x10, s25, s13, $0xb8;
	[tilespmem:$0x6F00] =	vst v63  }
0x36: {  	s24 =	sadd.s32 $0x2780, s25  }
0x37: {  	[tilespmem:s16], [sflag:$0x3] =	stream.indirect.gather [hbm4b:s4+s13], $0x10, s24, s13, $0xb8;
	[tilespmem:$0x6F00] =	vst v63  }
0x38: {  	_ =	swait.ge [sflag:s17], $0x1000  }
0x39: {  	[sflag:s17] =	ssyncset.done $0x0  }
0x3a: {  	[sflag:s17] =	ssyncadd.s32 $0xFFFFF000  }
0x3b: {  	_ =	swait.ge [sflag:s18], $0x800  }
0x3c: {  	[sflag:s18] =	ssyncset.done $0x0  }
0x3d: {  	[sflag:s18] =	ssyncadd.s32 $0xFFFFF800  }
0x3e: {  	_ =	swait.ge [sflag:s19], $0x800  }
0x3f: {  	[sflag:s19] =	ssyncset.done $0x0  }
0x40: {  	s24 =	sadd.s32 s23, s10;
	s23 =	smov.u32 s26;
	[sflag:s19] =	ssyncadd.s32 $0xFFFFF800  }
0x41: {  	[hbm4b:s24+s2] =	stream.linear.scatter [tilespmem:s14], [sflag:$0x4], $0x1000, $0x38;
	[tilespmem:$0x6F00] =	vst v63  }
0x42: {  	_ =	swait.ge [sflag:s11], $0x1000  }
0x43: {  	[sflag:s11] =	ssyncset.done $0x0  }
0x44: {  	[sflag:s11] =	ssyncadd.s32 $0xFFFFF000  }
0x45: {  	[hbm4b:s22+s2] =	stream.linear.scatter [tilespmem:s15], [sflag:$0x4], $0x800, $0x38;
	[tilespmem:$0x6F00] =	vst v63  }
0x46: {  	_ =	swait.ge [sflag:s11], $0x800  }
.Ltmp0:
0x47: {  	[sflag:s11] =	ssyncset.done $0x0;
	(pc) =	sbr.rel @p0 .LBB2_2-.Ltmp0, $4  }
0x48: {  	[sflag:s11] =	ssyncadd.s32 $0xFFFFF800  }
0x49: {  	[hbm4b:s21+s2] =	stream.linear.scatter [tilespmem:s16], [sflag:$0x4], $0x800, $0x38;
	[tilespmem:$0x6F00] =	vst v63  }
0x4a: {  	s24 =	smov.u32 s28;
	_ =	swait.ge [sflag:s11], $0x800  }
0x4b: {  	s22 =	sadd.s32 $0x100, s22;
	s21 =	sadd.s32 $0x100, s21;
	[sflag:s11] =	ssyncset.done $0x0  }
0x4c: {  	s24 =	sshra.s32 s23, $0x2;
	[sflag:s11] =	ssyncadd.s32 $0xFFFFF800  }
0x4d: {  	[tilespmem:s14], [sflag:$0x1] =	stream.indirect.gather [hbm4b:s3+s13], $0x20, s24, s13, $0xb8;
	[tilespmem:$0x6F00] =	vst v63  }
0x4e: {  	_ = 	snop  }
0x4f: {  	[tilespmem:s15], [sflag:$0x2] =	stream.indirect.gather [hbm4b:s4+s13], $0x10, s24, s13, $0xb8;
	[tilespmem:$0x6F00] =	vst v63  }
0x50: {  	s24 =	sadd.s32 $0x2780, s24  }
0x51: {  	[tilespmem:s16], [sflag:$0x3] =	stream.indirect.gather [hbm4b:s4+s13], $0x10, s24, s13, $0xb8;
	[tilespmem:$0x6F00] =	vst v63  }
0x52: {  	_ =	swait.ge [sflag:s17], $0x1000  }
0x53: {  	[sflag:s17] =	ssyncset.done $0x0  }
0x54: {  	[sflag:s17] =	ssyncadd.s32 $0xFFFFF000  }
0x55: {  	_ =	swait.ge [sflag:s18], $0x800  }
0x56: {  	[sflag:s18] =	ssyncset.done $0x0  }
0x57: {  	[sflag:s18] =	ssyncadd.s32 $0xFFFFF800  }
0x58: {  	_ =	swait.ge [sflag:s19], $0x800  }
0x59: {  	[sflag:s19] =	ssyncset.done $0x0  }
0x5a: {  	s31 =	sadd.s32 s23, s10;
	[sflag:s19] =	ssyncadd.s32 $0xFFFFF800  }
0x5b: {  	[hbm4b:s31+s2] =	stream.linear.scatter [tilespmem:s14], [sflag:$0x4], $0x1000, $0x38;
	[tilespmem:$0x6F00] =	vst v63  }
0x5c: {  	_ =	swait.ge [sflag:s11], $0x1000  }
0x5d: {  	[sflag:s11] =	ssyncset.done $0x0  }
0x5e: {  	[sflag:s11] =	ssyncadd.s32 $0xFFFFF000  }
0x5f: {  	[hbm4b:s22+s2] =	stream.linear.scatter [tilespmem:s15], [sflag:$0x4], $0x800, $0x38;
	[tilespmem:$0x6F00] =	vst v63  }
0x60: {  	s20 =	sadd.s32 $0x1, s20;
	_ =	swait.ge [sflag:s11], $0x800  }
0x61: {  	p0 =	sne.s32 s20, s7;
	[sflag:s11] =	ssyncset.done $0x0  }
.Ltmp1:
0x62: {  	[sflag:s11] =	ssyncadd.s32 $0xFFFFF800;
	(pc) =	sbr.rel @p0 .LBB2_1-.Ltmp1, $4  }
0x63: {  	[hbm4b:s21+s2] =	stream.linear.scatter [tilespmem:s16], [sflag:$0x4], $0x800, $0x38;
	[tilespmem:$0x6F00] =	vst v63  }
0x64: {  	_ =	swait.ge [sflag:s11], $0x800  }
0x65: {  	[sflag:s11] =	ssyncset.done $0x0  }
0x66: {  	[sflag:s11] =	ssyncadd.s32 $0xFFFFF800  }
0x67: {  	_ =	sfence.sel $0x180000  }
0x68: {  	[bflag:$0x0] =	sbarrier.arrive $0xFFFF  }
0x69: {  	p0 =	sne.s32 s0, $0x0;
	_ =	strace $0x90000047  }
0x6a: {  	s0 =	sadd.s32 @!p0 $0x100000, s1;
	[bflag:$0x2] =	sbarrier.arrive $0xFFFF  }
0x6b: {  	[sflag:s0] =	ssyncadd.tile.s32 @!p0 $0x1;
	_ =	shalt  }
.Lfunc_end2:
_tile_overlayer_lowered:
.L_overlay_start_2:
0x6c: {  	(tag) =	ssettag $0x2  }
0x6d: {  	s0 =	rddreg [dreg:$0x0];
	s2 =	stileid.u32  }
0x6e: {  	s1 =	rddreg [dreg:$0x1];
	p0 =	sne.s32 s2, $0x0  }
0x6f: {  	s3 =	rddreg [dreg:$0x2];
	[bflag:$0x3] =	sbarrier.arrive $0xFFFF;
	s2 =	simm.s32 @!p0 $0x1C04  }
0x70: {  	[timem:s3], [sflag:s2] =	dma.local @!p0 [hbm:s0], s1  }
0x71: {  	s0 =	simm.s32 @!p0 $0x4  }
0x72: {  	_ =	swait.ge @!p0 [sflag:s0], s1  }
0x73: {  	s1 =	ssub.s32 @!p0 $0x0, s1;
	[sflag:s0] =	ssyncset.done @!p0 $0x0  }
0x74: {  	[sflag:s0] =	ssyncadd.s32 @!p0 s1  }
0x75: {  	[bflag:$0x3] =	sbarrier.arrive $0xFFFF  }
0x76: {  	_ =	shalt  }

// kernel: kernel.18.cloned.1.call-start
scs
__scs_entry_jumppad:
0x0: {  	(pc) =	sbr.rel $0x88, $3  }
0x1: {  	(tag) =	ssettag $0x0;
	lr =	simm.s32 $0x1  }
0x2: {  	[smem:$0x3F8E] =	sst lr;
	_ =	strace $0xD0000000  }
0x3: {  	_ = 	snop  }
0x4: {  	_ = 	snop  }
0x5: {  	_ = 	snop  }
0x6: {  	_ = 	snop  }
0x7: {  	_ = 	snop  }
__scs_overlays_trampoline_lowered:
0x8: {  	[smem:$0x3F9D] =	sst s0  }
0x9: {  	[smem:$0x3F9E] =	sst s1  }
0xa: {  	[smem:$0x3F9F] =	sst s2  }
0xb: {  	[smem:$0x3FA0] =	sst s3  }
0xc: {  	[smem:$0x3FA1] =	sst s4  }
0xd: {  	[smem:$0x3FA2] =	sst s5  }
0xe: {  	[smem:$0x3FA3] =	sst s6  }
0xf: {  	[smem:$0x3FA4] =	sst s7  }
0x10: {  	[smem:$0x3FA5] =	sst s8  }
0x11: {  	[smem:$0x3FA6] =	sst s9;
	s0 =	simm.s32 @!p0 $0x0  }
0x12: {  	s1 =	sld [smem:$0x3F8C];
	s0 =	simm.s32 @p0 $0x1  }
0x13: {  	[smem:$0x3FA7] =	sst s0;
	s0 =	simm.s32 @!p1 $0x0  }
0x14: {  	s2 =	sld [smem:$0x3F8B];
	s0 =	simm.s32 @p1 $0x1  }
0x15: {  	[smem:$0x3FA8] =	sst s0;
	s0 =	simm.s32 @!p2 $0x0  }
0x16: {  	s3 =	sld [smem:$0x3FDB];
	s0 =	simm.s32 @p2 $0x1  }
0x17: {  	s4 =	simm.s32 $0x1BF5;
	[smem:$0x3FAA] =	sst s0  }
0x18: {  	s0 =	sld [smem:$0x3F8D];
	_ =	swait.ge [sflag:s4], $0x0  }
0x19: {  	s7 =	sld [smem:$0x3F8E]  }
0x1a: {  	s8 =	sadd.s32 $0xFFFFE003, lr  }
0x1b: {  	s9 =	sadd.s32 $0xFFFFFEF7, lr;
	s5 =	simm.s32 $0xFFFFFFFF;
	p2 =	slt.u32 s8, $0xFFFFF086  }
0x1c: {  	p1 =	slt.u32 s9, $0xF7A;
	s5 =	simm.s32 @!p2 $0x0  }
0x1d: {  	s5 =	simm.s32 @p1 $0x1;
	p0 =	seq.s32 s7, s2  }
0x1e: {  	s7 =	smul.u32 @!p0 $0xF7A, s2;
	p2 =	seq.s32 @!p0 s5, $0x0  }
0x1f: {  	s9 =	smul.u32 $0xF7A, s1;
	s8 =	simm.s32 @!p0 $0x1BF5;
	p2 =	por !p2, p0  }
0x20: {  	[sflag:s8] =	ssyncset.s32 @!p0 $0xFFFFF086;
	s6 =	sadd.s32 @!p0 s3, s7;
	s7 =	simm.s32 @!p0 $0x108  }
0x21: {  	s3 =	sadd.s32 s3, s9;
	s6 =	sadd.s32 @!p0 $0x88, s6;
	s7 =	simm.s32 @p2 $0x1082  }
0x22: {  	[simem:s7], [sflag:s8] =	dma.local @!p0 [hbm:s6], $0xF7A  }
0x23: {  	s9 =	sor.u32 $0xD0000000, s2;
	s6 =	simm.s32 $0x108;
	_ =	swait.ge @!p0 [sflag:s8], $0x0  }
0x24: {  	s3 =	sadd.s32 $0x88, s3;
	s6 =	simm.s32 @!p1 $0x1082;
	[sflag:s4] =	ssyncset.s32 $0xFFFFF086  }
0x25: {  	[simem:s6], [sflag:s4] =	dma.local [hbm:s3], $0xF7A  }
0x26: {  	[smem:$0x3F8E] =	sst s1;
	(tag) =	ssettag s2;
	_ =	strace s9  }
0x27: {  	s1 =	sld [smem:$0x3F9E]  }
0x28: {  	s2 =	sld [smem:$0x3F9F]  }
0x29: {  	s4 =	sld [smem:$0x3FA1]  }
0x2a: {  	p0 =	seq.s32 s5, $0x0;
	s5 =	sld [smem:$0x3FA2]  }
0x2b: {  	s6 =	sld [smem:$0x3FA3]  }
0x2c: {  	s7 =	sld [smem:$0x3FA4]  }
0x2d: {  	s3 =	simm.s32 $0x108;
	s8 =	sld [smem:$0x3FA5]  }
0x2e: {  	s3 =	simm.s32 @!p0 $0x1082;
	s9 =	sld [smem:$0x3FA6]  }
0x2f: {  	lr =	sadd.s32 s0, s3;
	s0 =	sld [smem:$0x3F9D]  }
0x30: {  	s3 =	sld [smem:$0x3FA0]  }
0x31: {  	[smem:$0x3FA9] =	sst s10  }
0x32: {  	s10 =	sld [smem:$0x3FA7];
	_ =	sdelay $0x3  }
0x33: {  	p0 =	seq.s32 s10, $0x1;
	s10 =	sld [smem:$0x3FA9];
	_ =	sdelay $0x3  }
0x34: {  	[smem:$0x3FA9] =	sst s10  }
0x35: {  	s10 =	sld [smem:$0x3FA8];
	_ =	sdelay $0x3  }
0x36: {  	p1 =	seq.s32 s10, $0x1;
	s10 =	sld [smem:$0x3FA9];
	_ =	sdelay $0x3  }
0x37: {  	[smem:$0x3FA9] =	sst s10  }
0x38: {  	s10 =	sld [smem:$0x3FAA]  }
0x39: {  	_ = 	snop;
	(pc) =	sbr.ind lr, $3  }
0x3a: {  	_ = 	snop  }
0x3b: {  	_ = 	snop  }
0x3c: {  	p2 =	seq.s32 s10, $0x1;
	s10 =	sld [smem:$0x3FA9]  }
0x3d: {  	_ =	shalt  }
0x3e: {  	_ =	shalt  }
0x3f: {  	_ =	shalt  }
0x40: {  	_ =	shalt  }
0x41: {  	_ =	shalt  }
0x42: {  	_ =	shalt  }
0x43: {  	_ =	shalt  }
0x44: {  	_ =	shalt  }
0x45: {  	_ =	shalt  }
0x46: {  	_ =	shalt  }
0x47: {  	_ =	shalt  }
0x48: {  	_ =	shalt  }
0x49: {  	_ =	shalt  }
0x4a: {  	_ =	shalt  }
0x4b: {  	_ =	shalt  }
0x4c: {  	_ =	shalt  }
0x4d: {  	_ =	shalt  }
0x4e: {  	_ =	shalt  }
0x4f: {  	_ =	shalt  }
0x50: {  	_ =	shalt  }
0x51: {  	_ =	shalt  }
0x52: {  	_ =	shalt  }
0x53: {  	_ =	shalt  }
0x54: {  	_ =	shalt  }
0x55: {  	_ =	shalt  }
0x56: {  	_ =	shalt  }
0x57: {  	_ =	shalt  }
0x58: {  	_ =	shalt  }
0x59: {  	_ =	shalt  }
0x5a: {  	_ =	shalt  }
0x5b: {  	_ =	shalt  }
0x5c: {  	_ =	shalt  }
0x5d: {  	_ =	shalt  }
0x5e: {  	_ =	shalt  }
0x5f: {  	_ =	shalt  }
0x60: {  	_ =	shalt  }
0x61: {  	_ =	shalt  }
0x62: {  	_ =	shalt  }
0x63: {  	_ =	shalt  }
0x64: {  	_ =	shalt  }
0x65: {  	_ =	shalt  }
0x66: {  	_ =	shalt  }
0x67: {  	_ =	shalt  }
0x68: {  	_ =	shalt  }
0x69: {  	_ =	shalt  }
0x6a: {  	_ =	shalt  }
0x6b: {  	_ =	shalt  }
0x6c: {  	_ =	shalt  }
0x6d: {  	_ =	shalt  }
0x6e: {  	_ =	shalt  }
0x6f: {  	_ =	shalt  }
0x70: {  	_ =	shalt  }
0x71: {  	_ =	shalt  }
0x72: {  	_ =	shalt  }
0x73: {  	_ =	shalt  }
0x74: {  	_ =	shalt  }
0x75: {  	_ =	shalt  }
0x76: {  	_ =	shalt  }
0x77: {  	_ =	shalt  }
0x78: {  	_ =	shalt  }
0x79: {  	_ =	shalt  }
0x7a: {  	_ =	shalt  }
0x7b: {  	_ =	shalt  }
0x7c: {  	_ =	shalt  }
0x7d: {  	_ =	shalt  }
0x7e: {  	_ =	shalt  }
0x7f: {  	_ =	shalt  }
0x80: {  	_ =	shalt  }
0x81: {  	_ =	shalt  }
0x82: {  	_ =	shalt  }
0x83: {  	_ =	shalt  }
0x84: {  	_ =	shalt  }
0x85: {  	_ =	shalt  }
0x86: {  	_ =	shalt  }
0x87: {  	_ =	shalt  }
.Lfunc_end0:
.L_simem_size_0:
called_computation.1_lowered:
.L_overlay_start_0:
0x88: {  	s2 =	sld [smem:$0x3FD9]  }
0x89: {  	s3 =	sld [smem:$0x3FFE];
	_ =	sdelay $0x1  }
0x8a: {  	s1 =	srdreg.scid  }
0x8b: {  	s0 =	sand.u32 $0x1, s1  }
0x8c: {  	s16 =	sshll.u32 s0, $0xA;
	s2 =	sadd.s32 s3, s2  }
0x8d: {  	s2 =	sadd.s32 s2, s16  }
0x8e: {  	[smem:$0x3FB5] =	sst s2  }
0x8f: {  	_ = 	snop  }
0x90: {  	(tm) =	ssettm $0x1  }
0x91: {  	s17 =	sld [smem:$0x3FFB];
	_ =	sdelay $0x3  }
0x92: {  	_ =	strace s17  }
0x93: {  	s2 =	sld [smem:$0x3FFC];
	_ =	sdelay $0x3  }
0x94: {  	_ =	strace s2  }
0x95: {  	s2 =	sld [smem:$0x3FFD];
	_ =	sdelay $0x3  }
0x96: {  	_ =	strace s2  }
0x97: {  	_ =	strace $0x8FFFFFFF  }
0x98: {  	s18 =	sld [smem:$0x3FDB];
	_ =	sdelay $0x1  }
0x99: {  	s19 =	simm.s32 $_scs_section_size  }
0x9a: {  	s4 =	simm.s32 $_size__tile_overlayer_lowered;
	s5 =	simm.s32 $_tile_overlayer_lowered  }
0x9b: {  	s22 =	simm.s32 $0x1BFF;
	s21 =	sshll.u32 s5, $0x1;
	s2 =	sadd.s32 s19, s18  }
0x9c: {  	s6 =	simm.s32 $0x0;
	s20 =	sshll.u32 s4, $0x1;
	s4 =	sadd.s32 s21, s2  }
0x9d: {  	[timem:s6], [sflag:s22] =	dma.local [hbm:s4], s20  }
0x9e: {  	_ =	swait.ge [sflag:s22], s20  }
0x9f: {  	s3 =	ssub.s32 $0x0, s20;
	[sflag:s22] =	ssyncset.done $0x0  }
0xa0: {  	[sflag:s22] =	ssyncadd.s32 s3;
	_ =	sdelay $0x1  }
0xa1: {  	s23 =	simm.s32 $0x1B8B  }
0xa2: {  	_ =	swait.ge [sflag:s23], $0x1  }
0xa3: {  	[sflag:s23] =	ssyncset.done $0x0  }
0xa4: {  	s25 =	simm.s32 $0x1B8E;
	s24 =	sld [smem:$0x3FFE];
	[sflag:s23] =	ssyncadd.s32 $0xFFFFFFFF  }
0xa5: {  	s26 =	simm.s32 $execute0_lowered;
	[smem:$0x3FD2] =	sst s25  }
0xa6: {  	s4 =	sshll.u32 s26, $0x1;
	_ =	strace $0x80000049;
	[dreg:$0x1] =	wrdreg $0xFFFFFFFF  }
0xa7: {  	s28 =	simm.s32 $_size_execute0_lowered;
	s2 =	sadd.s32 s2, s4;
	[dreg:$0x0] =	wrdreg $0x0  }
0xa8: {  	s4 =	sshll.u32 s28, $0x1;
	[dreg:$0x2] =	wrdreg s2  }
0xa9: {  	[dreg:$0x3] =	wrdreg s4  }
0xaa: {  	[dreg:$0x4] =	wrdreg $0xC0  }
0xab: {  	_ =	task [dreg:s6], $0x5FFFF  }
0xac: {  	[dreg:$0x1] =	wrdreg $0xFFFFFFFF  }
0xad: {  	[dreg:$0x0] =	wrdreg $0x60  }
0xae: {  	[dreg:$0x2] =	wrdreg s24  }
0xaf: {  	[dreg:$0x3] =	wrdreg $0x6F800  }
0xb0: {  	[dreg:$0x4] =	wrdreg $0x9  }
0xb1: {  	_ =	task.clear_ibuf [dreg:s6], $0x5FFFF;
	_ =	strace $0x90000049  }
0xb2: {  	s29 =	simm.s32 $0x9;
	_ =	strace $0x8000004B  }
0xb3: {  	_ =	swait.ge [sflag:s29], $0x1  }
0xb4: {  	[sflag:s29] =	ssyncadd.s32 $0xFFFFFFFF  }
0xb5: {  	_ =	strace $0x9000004B  }
0xb6: {  	_ =	sfence  }
0xb7: {  	s30 =	sld [smem:$0x0];
	_ =	sdelay $0x2  }
0xb8: {  	s31 =	sshll.u32 s1, $0xD;
	s1 =	sshrl.u32 s1, $0x2  }
0xb9: {  	s3 =	sand.u32 $0x4000, s31;
	s1 =	sadd.s32 s1, s30  }
0xba: {  	s0 =	sor.u32 s3, s0;
	s1 =	sshll.u32 s1, $0x11  }
0xbb: {  	s0 =	sor.u32 s1, s0  }
0xbc: {  	s0 =	sadd.s32 $0x8F2B, s0  }
0xbd: {  	[sflag:s0] =	ssyncadd.remote.s32 $0x1  }
0xbe: {  	_ =	sfence.sel $0xFFFF  }
0xbf: {  	[dreg:$0x0] =	wrdreg $0xFFFFFFFF;
	(pc) =	sbr.abs _section_cstart, $3  }
0xc0: {  	[dreg:$0x1] =	wrdreg $0xFFFFFFFF  }
0xc1: {  	_ =	task.clear_ibuf [dreg:s6], $0x2FFFF;
	_ =	strace $0x9FFFFFFF  }
0xc2: {  	(tm) =	ssettm $0x7FFFFFFF  }
0xc3: {  	_ =	shalt  }
tec
execute0_lowered:
.L_overlay_start_1:
0x0: {  	(tag) =	ssettag $0x1  }
0x1: {  	s0 =	stileid.u32  }
0x2: {  	s1 =	srdreg.scid;
	s5 =	rddreg [dreg:$0x0]  }
0x3: {  	s2 =	rddreg [dreg:$0x1];
	s6 =	smul.u32 $0x58E00, s0  }
0x4: {  	s3 =	simm.s32 $0x0;
	s4 =	sand.u32 $0x1, s1;
	s8 =	smul.u32 $0x16800, s0  }
0x5: {  	s14 =	simm.s32 $0x0;
	s24 =	sshll.u32 s0, $0x1;
	s9 =	smul.u32 $0x168000, s4  }
0x6: {  	[smem:$0x7FF] =	sst s3;
	s1 =	sor.u32 s4, s24;
	s13 =	smul.u32 $0x2C700, s4  }
0x7: {  	s30 =	sshll.u32 s0, $0x6;
	s28 =	ssub.s32 $0x2, s4;
	s7 =	smul.u32 $0x2780, s1  }
0x8: {  	s1 =	rddreg [dreg:$0x2];
	_ =	strace $0x8000004A;
	s10 =	sadd.s32 s6, s5  }
0x9: {  	s11 =	sshrl.u32 s8, $0x3;
	s12 =	sshrl.u32 s28, $0x1;
	s29 =	sadd.s32 s8, s2  }
0xa: {  	s26 =	sadd.s32 s8, s9;
	s11 =	sadd.s32 s11, s5;
	s9 =	ssub.s32 s28, s12  }
0xb: {  	s31 =	sadd.s32 s13, s10;
	s10 =	sshrl.u32 s29, $0x3;
	s12 =	simm.s32 $0x2780  }
0xc: {  	s13 =	simm.s32 $0x80;
	s25 =	sshrl.u32 s7, $0x3;
	s7 =	sshrl.u32 s26, $0x3  }
0xd: {  	s4 =	sadd.s32 $0x2C200, s11;
	s8 =	smax.u32 s9, $0x1;
	s9 =	sadd.s32 $0x2A5400, s31  }
0xe: {  	s11 =	simm.s32 $0x1;
	s6 =	sadd.s32 s25, s5;
	s7 =	sadd.s32 s7, s5  }
0xf: {  	s5 =	sor.u32 $0x1C01, s30;
	s6 =	sadd.s32 $0x13600, s6;
	s7 =	sadd.s32 $0x59200, s7  }
.LBB2_1:
0x10: {  	[spmem:s10], [sflag:s5] =	dma.local [hbm:s4], $0x2D00  }
0x11: {  	_ =	swait.ge [sflag:s11], $0x2D00  }
0x12: {  	[sflag:s11] =	ssyncset.done $0x0  }
0x13: {  	[sflag:s11] =	ssyncadd.s32 $0xFFFFD300  }
0x14: {  	[tilespmem:s3], [sflag:$0x1] =	stream.linear.gather [hbm4b:s6+s3], $0x2780, $0x38;
	[tilespmem:$0x1D780] =	vst v63  }
0x15: {  	_ =	swait.ge [sflag:s11], $0x2780  }
0x16: {  	[sflag:s11] =	ssyncset.done $0x0  }
0x17: {  	[sflag:s11] =	ssyncadd.s32 $0xFFFFD880  }
0x18: {  	[bflag:$0x0] =	sbarrier.arrive $0xFFFF  }
0x19: {  	[tilespmem:s12], [sflag:$0x1] =	stream.linear.gather [hbm4b:s9+s3], $0x4800, $0x38;
	[tilespmem:$0x1D780] =	vst v63  }
0x1a: {  	_ =	swait.ge [sflag:s11], $0x4800  }
0x1b: {  	[sflag:s11] =	ssyncset.done $0x0  }
0x1c: {  	s15 =	simm.s32 $0x0;
	[sflag:s11] =	ssyncadd.s32 $0xFFFFB800  }
0x1d: {  	[spmem:s2] =	stream.indirect.scatter.add.f32 [tilespmem:s12], [sflag:$0x1], $0x90, s15, s13, $0xb8;
	[tilespmem:$0x1D780] =	vst v63  }
0x1e: {  	_ =	swait.ge [sflag:s11], $0x4800  }
0x1f: {  	s16 =	smov.u32 s9;
	s15 =	simm.s32 $0x200;
	[sflag:s11] =	ssyncset.done $0x0  }
.LBB2_2:
0x20: {  	p0 =	sne.s32 s15, $0x9C00;
	[sflag:s11] =	ssyncadd.s32 $0xFFFFB800;
	s16 =	sadd.s32 $0x900, s16  }
0x21: {  	[tilespmem:s12], [sflag:$0x1] =	stream.linear.gather [hbm4b:s16+s3], $0x4800, $0x38;
	[tilespmem:$0x1D780] =	vst v63  }
0x22: {  	s17 =	smov.u32 s15;
	s15 =	sadd.s32 $0x200, s15;
	_ =	swait.ge [sflag:s11], $0x4800  }
.Ltmp0:
0x23: {  	[sflag:s11] =	ssyncset.done $0x0;
	(pc) =	sbr.rel @p0 .LBB2_2-.Ltmp0, $4  }
0x24: {  	s17 =	sshra.s32 s17, $0x2;
	[sflag:s11] =	ssyncadd.s32 $0xFFFFB800  }
0x25: {  	[spmem:s2] =	stream.indirect.scatter.add.f32 [tilespmem:s12], [sflag:$0x1], $0x90, s17, s13, $0xb8;
	[tilespmem:$0x1D780] =	vst v63  }
0x26: {  	_ =	swait.ge [sflag:s11], $0x4800  }
0x27: {  	[sflag:s11] =	ssyncset.done $0x0  }
0x28: {  	s14 =	sadd.s32 $0x1, s14  }
0x29: {  	[sflag:s11] =	ssyncadd.s32 $0xFFFFB800;
	p0 =	sne.s32 s14, s8  }
.Ltmp1:
0x2a: {  	[bflag:$0x0] =	sbarrier.arrive $0xFFFF;
	(pc) =	sbr.rel @p0 .LBB2_1-.Ltmp1, $4  }
0x2b: {  	[hbm:s7], [sflag:s5] =	dma.local [spmem:s10], $0x2D00  }
0x2c: {  	_ =	swait.ge [sflag:s11], $0x2D00  }
0x2d: {  	[sflag:s11] =	ssyncset.done $0x0  }
0x2e: {  	[sflag:s11] =	ssyncadd.s32 $0xFFFFD300  }
0x2f: {  	_ =	sfence.sel $0x180000  }
0x30: {  	[bflag:$0x0] =	sbarrier.arrive $0xFFFF  }
0x31: {  	p0 =	sne.s32 s0, $0x0;
	_ =	strace $0x9000004A  }
0x32: {  	s0 =	sadd.s32 @!p0 $0x100000, s1;
	[bflag:$0x2] =	sbarrier.arrive $0xFFFF  }
0x33: {  	[sflag:s0] =	ssyncadd.tile.s32 @!p0 $0x1;
	_ =	shalt  }
.Lfunc_end2:
_tile_overlayer_lowered:
.L_overlay_start_2:
0x34: {  	(tag) =	ssettag $0x2  }
0x35: {  	s0 =	rddreg [dreg:$0x0];
	s2 =	stileid.u32  }
0x36: {  	s1 =	rddreg [dreg:$0x1];
	p0 =	sne.s32 s2, $0x0  }
0x37: {  	s3 =	rddreg [dreg:$0x2];
	[bflag:$0x3] =	sbarrier.arrive $0xFFFF;
	s2 =	simm.s32 @!p0 $0x1C01  }
0x38: {  	[timem:s3], [sflag:s2] =	dma.local @!p0 [hbm:s0], s1  }
0x39: {  	s0 =	simm.s32 @!p0 $0x1  }
0x3a: {  	_ =	swait.ge @!p0 [sflag:s0], s1  }
0x3b: {  	s1 =	ssub.s32 @!p0 $0x0, s1;
	[sflag:s0] =	ssyncset.done @!p0 $0x0  }
0x3c: {  	[sflag:s0] =	ssyncadd.s32 @!p0 s1  }
0x3d: {  	[bflag:$0x3] =	sbarrier.arrive $0xFFFF  }
0x3e: {  	_ =	shalt  }

// kernel: kernel.21.cloned.1.call-start
scs
__scs_entry_jumppad:
0x0: {  	(pc) =	sbr.rel $0x88, $3  }
0x1: {  	(tag) =	ssettag $0x0;
	lr =	simm.s32 $0x1  }
0x2: {  	[smem:$0x3F8E] =	sst lr;
	_ =	strace $0xD0000000  }
0x3: {  	_ = 	snop  }
0x4: {  	_ = 	snop  }
0x5: {  	_ = 	snop  }
0x6: {  	_ = 	snop  }
0x7: {  	_ = 	snop  }
__scs_overlays_trampoline_lowered:
0x8: {  	[smem:$0x3F9D] =	sst s0  }
0x9: {  	[smem:$0x3F9E] =	sst s1  }
0xa: {  	[smem:$0x3F9F] =	sst s2  }
0xb: {  	[smem:$0x3FA0] =	sst s3  }
0xc: {  	[smem:$0x3FA1] =	sst s4  }
0xd: {  	[smem:$0x3FA2] =	sst s5  }
0xe: {  	[smem:$0x3FA3] =	sst s6  }
0xf: {  	[smem:$0x3FA4] =	sst s7  }
0x10: {  	[smem:$0x3FA5] =	sst s8  }
0x11: {  	[smem:$0x3FA6] =	sst s9;
	s0 =	simm.s32 @!p0 $0x0  }
0x12: {  	s1 =	sld [smem:$0x3F8C];
	s0 =	simm.s32 @p0 $0x1  }
0x13: {  	[smem:$0x3FA7] =	sst s0;
	s0 =	simm.s32 @!p1 $0x0  }
0x14: {  	s2 =	sld [smem:$0x3F8B];
	s0 =	simm.s32 @p1 $0x1  }
0x15: {  	[smem:$0x3FA8] =	sst s0;
	s0 =	simm.s32 @!p2 $0x0  }
0x16: {  	s3 =	sld [smem:$0x3FDB];
	s0 =	simm.s32 @p2 $0x1  }
0x17: {  	s4 =	simm.s32 $0x1BF5;
	[smem:$0x3FAA] =	sst s0  }
0x18: {  	s0 =	sld [smem:$0x3F8D];
	_ =	swait.ge [sflag:s4], $0x0  }
0x19: {  	s7 =	sld [smem:$0x3F8E]  }
0x1a: {  	s8 =	sadd.s32 $0xFFFFE003, lr  }
0x1b: {  	s9 =	sadd.s32 $0xFFFFFEF7, lr;
	s5 =	simm.s32 $0xFFFFFFFF;
	p2 =	slt.u32 s8, $0xFFFFF086  }
0x1c: {  	p1 =	slt.u32 s9, $0xF7A;
	s5 =	simm.s32 @!p2 $0x0  }
0x1d: {  	s5 =	simm.s32 @p1 $0x1;
	p0 =	seq.s32 s7, s2  }
0x1e: {  	s7 =	smul.u32 @!p0 $0xF7A, s2;
	p2 =	seq.s32 @!p0 s5, $0x0  }
0x1f: {  	s9 =	smul.u32 $0xF7A, s1;
	s8 =	simm.s32 @!p0 $0x1BF5;
	p2 =	por !p2, p0  }
0x20: {  	[sflag:s8] =	ssyncset.s32 @!p0 $0xFFFFF086;
	s6 =	sadd.s32 @!p0 s3, s7;
	s7 =	simm.s32 @!p0 $0x108  }
0x21: {  	s3 =	sadd.s32 s3, s9;
	s6 =	sadd.s32 @!p0 $0x88, s6;
	s7 =	simm.s32 @p2 $0x1082  }
0x22: {  	[simem:s7], [sflag:s8] =	dma.local @!p0 [hbm:s6], $0xF7A  }
0x23: {  	s9 =	sor.u32 $0xD0000000, s2;
	s6 =	simm.s32 $0x108;
	_ =	swait.ge @!p0 [sflag:s8], $0x0  }
0x24: {  	s3 =	sadd.s32 $0x88, s3;
	s6 =	simm.s32 @!p1 $0x1082;
	[sflag:s4] =	ssyncset.s32 $0xFFFFF086  }
0x25: {  	[simem:s6], [sflag:s4] =	dma.local [hbm:s3], $0xF7A  }
0x26: {  	[smem:$0x3F8E] =	sst s1;
	(tag) =	ssettag s2;
	_ =	strace s9  }
0x27: {  	s1 =	sld [smem:$0x3F9E]  }
0x28: {  	s2 =	sld [smem:$0x3F9F]  }
0x29: {  	s4 =	sld [smem:$0x3FA1]  }
0x2a: {  	p0 =	seq.s32 s5, $0x0;
	s5 =	sld [smem:$0x3FA2]  }
0x2b: {  	s6 =	sld [smem:$0x3FA3]  }
0x2c: {  	s7 =	sld [smem:$0x3FA4]  }
0x2d: {  	s3 =	simm.s32 $0x108;
	s8 =	sld [smem:$0x3FA5]  }
0x2e: {  	s3 =	simm.s32 @!p0 $0x1082;
	s9 =	sld [smem:$0x3FA6]  }
0x2f: {  	lr =	sadd.s32 s0, s3;
	s0 =	sld [smem:$0x3F9D]  }
0x30: {  	s3 =	sld [smem:$0x3FA0]  }
0x31: {  	[smem:$0x3FA9] =	sst s10  }
0x32: {  	s10 =	sld [smem:$0x3FA7];
	_ =	sdelay $0x3  }
0x33: {  	p0 =	seq.s32 s10, $0x1;
	s10 =	sld [smem:$0x3FA9];
	_ =	sdelay $0x3  }
0x34: {  	[smem:$0x3FA9] =	sst s10  }
0x35: {  	s10 =	sld [smem:$0x3FA8];
	_ =	sdelay $0x3  }
0x36: {  	p1 =	seq.s32 s10, $0x1;
	s10 =	sld [smem:$0x3FA9];
	_ =	sdelay $0x3  }
0x37: {  	[smem:$0x3FA9] =	sst s10  }
0x38: {  	s10 =	sld [smem:$0x3FAA]  }
0x39: {  	_ = 	snop;
	(pc) =	sbr.ind lr, $3  }
0x3a: {  	_ = 	snop  }
0x3b: {  	_ = 	snop  }
0x3c: {  	p2 =	seq.s32 s10, $0x1;
	s10 =	sld [smem:$0x3FA9]  }
0x3d: {  	_ =	shalt  }
0x3e: {  	_ =	shalt  }
0x3f: {  	_ =	shalt  }
0x40: {  	_ =	shalt  }
0x41: {  	_ =	shalt  }
0x42: {  	_ =	shalt  }
0x43: {  	_ =	shalt  }
0x44: {  	_ =	shalt  }
0x45: {  	_ =	shalt  }
0x46: {  	_ =	shalt  }
0x47: {  	_ =	shalt  }
0x48: {  	_ =	shalt  }
0x49: {  	_ =	shalt  }
0x4a: {  	_ =	shalt  }
0x4b: {  	_ =	shalt  }
0x4c: {  	_ =	shalt  }
0x4d: {  	_ =	shalt  }
0x4e: {  	_ =	shalt  }
0x4f: {  	_ =	shalt  }
0x50: {  	_ =	shalt  }
0x51: {  	_ =	shalt  }
0x52: {  	_ =	shalt  }
0x53: {  	_ =	shalt  }
0x54: {  	_ =	shalt  }
0x55: {  	_ =	shalt  }
0x56: {  	_ =	shalt  }
0x57: {  	_ =	shalt  }
0x58: {  	_ =	shalt  }
0x59: {  	_ =	shalt  }
0x5a: {  	_ =	shalt  }
0x5b: {  	_ =	shalt  }
0x5c: {  	_ =	shalt  }
0x5d: {  	_ =	shalt  }
0x5e: {  	_ =	shalt  }
0x5f: {  	_ =	shalt  }
0x60: {  	_ =	shalt  }
0x61: {  	_ =	shalt  }
0x62: {  	_ =	shalt  }
0x63: {  	_ =	shalt  }
0x64: {  	_ =	shalt  }
0x65: {  	_ =	shalt  }
0x66: {  	_ =	shalt  }
0x67: {  	_ =	shalt  }
0x68: {  	_ =	shalt  }
0x69: {  	_ =	shalt  }
0x6a: {  	_ =	shalt  }
0x6b: {  	_ =	shalt  }
0x6c: {  	_ =	shalt  }
0x6d: {  	_ =	shalt  }
0x6e: {  	_ =	shalt  }
0x6f: {  	_ =	shalt  }
0x70: {  	_ =	shalt  }
0x71: {  	_ =	shalt  }
0x72: {  	_ =	shalt  }
0x73: {  	_ =	shalt  }
0x74: {  	_ =	shalt  }
0x75: {  	_ =	shalt  }
0x76: {  	_ =	shalt  }
0x77: {  	_ =	shalt  }
0x78: {  	_ =	shalt  }
0x79: {  	_ =	shalt  }
0x7a: {  	_ =	shalt  }
0x7b: {  	_ =	shalt  }
0x7c: {  	_ =	shalt  }
0x7d: {  	_ =	shalt  }
0x7e: {  	_ =	shalt  }
0x7f: {  	_ =	shalt  }
0x80: {  	_ =	shalt  }
0x81: {  	_ =	shalt  }
0x82: {  	_ =	shalt  }
0x83: {  	_ =	shalt  }
0x84: {  	_ =	shalt  }
0x85: {  	_ =	shalt  }
0x86: {  	_ =	shalt  }
0x87: {  	_ =	shalt  }
.Lfunc_end0:
.L_simem_size_0:
called_computation.2_lowered:
.L_overlay_start_0:
0x88: {  	s2 =	sld [smem:$0x3FD9]  }
0x89: {  	s3 =	sld [smem:$0x3FFE];
	_ =	sdelay $0x1  }
0x8a: {  	s1 =	srdreg.scid  }
0x8b: {  	s0 =	sand.u32 $0x1, s1  }
0x8c: {  	s16 =	sshll.u32 s0, $0xA;
	s2 =	sadd.s32 s3, s2  }
0x8d: {  	s2 =	sadd.s32 s2, s16  }
0x8e: {  	[smem:$0x3FB5] =	sst s2  }
0x8f: {  	_ = 	snop  }
0x90: {  	(tm) =	ssettm $0x1  }
0x91: {  	s17 =	sld [smem:$0x3FFB];
	_ =	sdelay $0x3  }
0x92: {  	_ =	strace s17  }
0x93: {  	s2 =	sld [smem:$0x3FFC];
	_ =	sdelay $0x3  }
0x94: {  	_ =	strace s2  }
0x95: {  	s2 =	sld [smem:$0x3FFD];
	_ =	sdelay $0x3  }
0x96: {  	_ =	strace s2  }
0x97: {  	_ =	strace $0x8FFFFFFF  }
0x98: {  	s18 =	sld [smem:$0x3FDB];
	_ =	sdelay $0x1  }
0x99: {  	s19 =	simm.s32 $_scs_section_size  }
0x9a: {  	s4 =	simm.s32 $_size__tile_overlayer_lowered;
	s5 =	simm.s32 $_tile_overlayer_lowered  }
0x9b: {  	s22 =	simm.s32 $0x1BFF;
	s21 =	sshll.u32 s5, $0x1;
	s2 =	sadd.s32 s19, s18  }
0x9c: {  	s6 =	simm.s32 $0x0;
	s20 =	sshll.u32 s4, $0x1;
	s4 =	sadd.s32 s21, s2  }
0x9d: {  	[timem:s6], [sflag:s22] =	dma.local [hbm:s4], s20  }
0x9e: {  	_ =	swait.ge [sflag:s22], s20  }
0x9f: {  	s3 =	ssub.s32 $0x0, s20;
	[sflag:s22] =	ssyncset.done $0x0  }
0xa0: {  	[sflag:s22] =	ssyncadd.s32 s3;
	_ =	sdelay $0x1  }
0xa1: {  	s23 =	simm.s32 $0x1B8B  }
0xa2: {  	_ =	swait.ge [sflag:s23], $0x1  }
0xa3: {  	[sflag:s23] =	ssyncset.done $0x0  }
0xa4: {  	s25 =	simm.s32 $0x1B8E;
	s24 =	sld [smem:$0x3FFE];
	[sflag:s23] =	ssyncadd.s32 $0xFFFFFFFF  }
0xa5: {  	s26 =	simm.s32 $execute0_lowered;
	[smem:$0x3FD2] =	sst s25  }
0xa6: {  	s4 =	sshll.u32 s26, $0x1;
	_ =	strace $0x8000004C;
	[dreg:$0x1] =	wrdreg $0xFFFFFFFF  }
0xa7: {  	s28 =	simm.s32 $_size_execute0_lowered;
	s2 =	sadd.s32 s2, s4;
	[dreg:$0x0] =	wrdreg $0x0  }
0xa8: {  	s4 =	sshll.u32 s28, $0x1;
	[dreg:$0x2] =	wrdreg s2  }
0xa9: {  	[dreg:$0x3] =	wrdreg s4  }
0xaa: {  	[dreg:$0x4] =	wrdreg $0xC0  }
0xab: {  	_ =	task [dreg:s6], $0x5FFFF  }
0xac: {  	[dreg:$0x1] =	wrdreg $0xFFFFFFFF  }
0xad: {  	[dreg:$0x0] =	wrdreg $0x60  }
0xae: {  	[dreg:$0x2] =	wrdreg s24  }
0xaf: {  	[dreg:$0x3] =	wrdreg $0x9  }
0xb0: {  	_ =	task.clear_ibuf [dreg:s6], $0x4FFFF;
	_ =	strace $0x9000004C  }
0xb1: {  	s29 =	simm.s32 $0x9;
	_ =	strace $0x8000004E  }
0xb2: {  	_ =	swait.ge [sflag:s29], $0x1  }
0xb3: {  	[sflag:s29] =	ssyncadd.s32 $0xFFFFFFFF  }
0xb4: {  	_ =	strace $0x9000004E  }
0xb5: {  	_ =	sfence  }
0xb6: {  	s30 =	sld [smem:$0x0];
	_ =	sdelay $0x2  }
0xb7: {  	s31 =	sshll.u32 s1, $0xD;
	s1 =	sshrl.u32 s1, $0x2  }
0xb8: {  	s3 =	sand.u32 $0x4000, s31;
	s1 =	sadd.s32 s1, s30  }
0xb9: {  	s0 =	sor.u32 s3, s0;
	s1 =	sshll.u32 s1, $0x11  }
0xba: {  	s0 =	sor.u32 s1, s0  }
0xbb: {  	s0 =	sadd.s32 $0x8F2B, s0  }
0xbc: {  	[sflag:s0] =	ssyncadd.remote.s32 $0x1  }
0xbd: {  	_ =	sfence.sel $0xFFFF  }
0xbe: {  	[dreg:$0x0] =	wrdreg $0xFFFFFFFF;
	(pc) =	sbr.abs _section_cstart, $3  }
0xbf: {  	[dreg:$0x1] =	wrdreg $0xFFFFFFFF  }
0xc0: {  	_ =	task.clear_ibuf [dreg:s6], $0x2FFFF;
	_ =	strace $0x9FFFFFFF  }
0xc1: {  	(tm) =	ssettm $0x7FFFFFFF  }
tec
execute0_lowered:
.L_overlay_start_1:
0x0: {  	(tag) =	ssettag $0x1  }
0x1: {  	s1 =	srdreg.scid  }
0x2: {  	s0 =	stileid.u32;
	s5 =	rddreg [dreg:$0x0]  }
0x3: {  	s2 =	simm.s32 $0x0;
	s13 =	simm.s32 $0x80;
	s14 =	simm.s32 $0x4F00  }
0x4: {  	s15 =	simm.s32 $0x5F00;
	s16 =	simm.s32 $0x6700;
	s17 =	simm.s32 $0x1  }
0x5: {  	s18 =	simm.s32 $0x2;
	s19 =	simm.s32 $0x3;
	s20 =	simm.s32 $0x0  }
0x6: {  	s6 =	sand.u32 $0x1, s1;
	s1 =	rddreg [dreg:$0x1];
	s8 =	smul.u32 $0x13C00, s0  }
0x7: {  	s3 =	sshll.u32 s0, $0x1;
	[smem:$0x7FF] =	sst s2;
	s9 =	smul.u32 $0x9E00, s0  }
0x8: {  	s4 =	sadd.s32 $0x27200, s5;
	s3 =	sor.u32 s6, s3;
	s12 =	smul.u32 $0x4F00, s6  }
0x9: {  	_ =	strace $0x8000004D;
	s10 =	ssub.s32 $0x2, s6;
	s31 =	smul.u32 $0x9E00, s6  }
0xa: {  	s7 =	smul.u32 $0x2780, s3;
	s3 =	sadd.s32 $0x80400, s5;
	s30 =	sshrl.u32 s10, $0x1  }
0xb: {  	s11 =	sadd.s32 s8, s5;
	s9 =	sadd.s32 s9, s5;
	s8 =	ssub.s32 s10, s30  }
0xc: {  	s9 =	sadd.s32 s12, s9;
	s10 =	sadd.s32 s31, s11;
	s7 =	sshrl.u32 s7, $0x3  }
0xd: {  	s11 =	simm.s32 $0x4;
	s12 =	simm.s32 $0x2780;
	s7 =	sadd.s32 s7, s5  }
0xe: {  	s10 =	sadd.s32 $0x2A5400, s10;
	s5 =	sadd.s32 $0x1D400, s7;
	s6 =	sadd.s32 $0x13600, s7  }
0xf: {  	s7 =	smax.u32 s8, $0x1;
	s8 =	sadd.s32 $0x8A400, s9;
	s9 =	sadd.s32 $0x128400, s9  }
.LBB2_1:
0x10: {  	[tilespmem:s2], [sflag:$0x4] =	stream.linear.gather [hbm4b:s5+s2], $0x2780, $0x38;
	[tilespmem:$0x6F00] =	vst v63  }
0x11: {  	_ =	swait.ge [sflag:s11], $0x2780  }
0x12: {  	[sflag:s11] =	ssyncset.done $0x0  }
0x13: {  	[sflag:s11] =	ssyncadd.s32 $0xFFFFD880  }
0x14: {  	[tilespmem:s12], [sflag:$0x4] =	stream.linear.gather [hbm4b:s6+s2], $0x2780, $0x38;
	[tilespmem:$0x6F00] =	vst v63  }
0x15: {  	_ =	swait.ge [sflag:s11], $0x2780  }
0x16: {  	[sflag:s11] =	ssyncset.done $0x0  }
0x17: {  	s21 =	simm.s32 $0x0;
	[sflag:s11] =	ssyncadd.s32 $0xFFFFD880  }
0x18: {  	[tilespmem:s14], [sflag:$0x1] =	stream.indirect.gather [hbm4b:s3+s13], $0x20, s21, s13, $0xb8;
	[tilespmem:$0x6F00] =	vst v63  }
0x19: {  	_ = 	snop  }
0x1a: {  	[tilespmem:s15], [sflag:$0x2] =	stream.indirect.gather [hbm4b:s4+s13], $0x10, s21, s13, $0xb8;
	[tilespmem:$0x6F00] =	vst v63  }
0x1b: {  	s30 =	simm.s32 $0x2780  }
0x1c: {  	[tilespmem:s16], [sflag:$0x3] =	stream.indirect.gather [hbm4b:s4+s13], $0x10, s30, s13, $0xb8;
	[tilespmem:$0x6F00] =	vst v63  }
0x1d: {  	_ =	swait.ge [sflag:s17], $0x1000  }
0x1e: {  	[sflag:s17] =	ssyncset.done $0x0  }
0x1f: {  	[sflag:s17] =	ssyncadd.s32 $0xFFFFF000  }
0x20: {  	_ =	swait.ge [sflag:s18], $0x800  }
0x21: {  	[sflag:s18] =	ssyncset.done $0x0  }
0x22: {  	[sflag:s18] =	ssyncadd.s32 $0xFFFFF800  }
0x23: {  	_ =	swait.ge [sflag:s19], $0x800  }
0x24: {  	[sflag:s19] =	ssyncset.done $0x0  }
0x25: {  	s31 =	sadd.s32 $0x0, s10;
	[sflag:s19] =	ssyncadd.s32 $0xFFFFF800  }
0x26: {  	[hbm4b:s31+s2] =	stream.linear.scatter [tilespmem:s14], [sflag:$0x4], $0x1000, $0x38;
	[tilespmem:$0x6F00] =	vst v63  }
0x27: {  	_ =	swait.ge [sflag:s11], $0x1000  }
0x28: {  	[sflag:s11] =	ssyncset.done $0x0  }
0x29: {  	[sflag:s11] =	ssyncadd.s32 $0xFFFFF000  }
0x2a: {  	[hbm4b:s9+s2] =	stream.linear.scatter [tilespmem:s15], [sflag:$0x4], $0x800, $0x38;
	[tilespmem:$0x6F00] =	vst v63  }
0x2b: {  	_ =	swait.ge [sflag:s11], $0x800  }
0x2c: {  	[sflag:s11] =	ssyncset.done $0x0  }
0x2d: {  	[sflag:s11] =	ssyncadd.s32 $0xFFFFF800  }
0x2e: {  	[hbm4b:s8+s2] =	stream.linear.scatter [tilespmem:s16], [sflag:$0x4], $0x800, $0x38;
	[tilespmem:$0x6F00] =	vst v63  }
0x2f: {  	s23 =	simm.s32 $0x200;
	s24 =	simm.s32 $0x400;
	_ =	swait.ge [sflag:s11], $0x800  }
0x30: {  	s22 =	sadd.s32 $0x100, s9;
	s21 =	sadd.s32 $0x100, s8;
	[sflag:s11] =	ssyncset.done $0x0  }
.LBB2_2:
0x31: {  	s25 =	sshra.s32 s23, $0x2  }
0x32: {  	[sflag:s11] =	ssyncadd.s32 $0xFFFFF800;
	s26 =	smov.u32 s24;
	s28 =	sadd.s32 $0x200, s24  }
0x33: {  	[tilespmem:s14], [sflag:$0x1] =	stream.indirect.gather [hbm4b:s3+s13], $0x20, s25, s13, $0xb8;
	[tilespmem:$0x6F00] =	vst v63  }
0x34: {  	p0 =	sne.s32 s24, $0x9C00  }
0x35: {  	[tilespmem:s15], [sflag:$0x2] =	stream.indirect.gather [hbm4b:s4+s13], $0x10, s25, s13, $0xb8;
	[tilespmem:$0x6F00] =	vst v63  }
0x36: {  	s24 =	sadd.s32 $0x2780, s25  }
0x37: {  	[tilespmem:s16], [sflag:$0x3] =	stream.indirect.gather [hbm4b:s4+s13], $0x10, s24, s13, $0xb8;
	[tilespmem:$0x6F00] =	vst v63  }
0x38: {  	_ =	swait.ge [sflag:s17], $0x1000  }
0x39: {  	[sflag:s17] =	ssyncset.done $0x0  }
0x3a: {  	[sflag:s17] =	ssyncadd.s32 $0xFFFFF000  }
0x3b: {  	_ =	swait.ge [sflag:s18], $0x800  }
0x3c: {  	[sflag:s18] =	ssyncset.done $0x0  }
0x3d: {  	[sflag:s18] =	ssyncadd.s32 $0xFFFFF800  }
0x3e: {  	_ =	swait.ge [sflag:s19], $0x800  }
0x3f: {  	[sflag:s19] =	ssyncset.done $0x0  }
0x40: {  	s24 =	sadd.s32 s23, s10;
	s23 =	smov.u32 s26;
	[sflag:s19] =	ssyncadd.s32 $0xFFFFF800  }
0x41: {  	[hbm4b:s24+s2] =	stream.linear.scatter [tilespmem:s14], [sflag:$0x4], $0x1000, $0x38;
	[tilespmem:$0x6F00] =	vst v63  }
0x42: {  	_ =	swait.ge [sflag:s11], $0x1000  }
0x43: {  	[sflag:s11] =	ssyncset.done $0x0  }
0x44: {  	[sflag:s11] =	ssyncadd.s32 $0xFFFFF000  }
0x45: {  	[hbm4b:s22+s2] =	stream.linear.scatter [tilespmem:s15], [sflag:$0x4], $0x800, $0x38;
	[tilespmem:$0x6F00] =	vst v63  }
0x46: {  	_ =	swait.ge [sflag:s11], $0x800  }
.Ltmp0:
0x47: {  	[sflag:s11] =	ssyncset.done $0x0;
	(pc) =	sbr.rel @p0 .LBB2_2-.Ltmp0, $4  }
0x48: {  	[sflag:s11] =	ssyncadd.s32 $0xFFFFF800  }
0x49: {  	[hbm4b:s21+s2] =	stream.linear.scatter [tilespmem:s16], [sflag:$0x4], $0x800, $0x38;
	[tilespmem:$0x6F00] =	vst v63  }
0x4a: {  	s24 =	smov.u32 s28;
	_ =	swait.ge [sflag:s11], $0x800  }
0x4b: {  	s22 =	sadd.s32 $0x100, s22;
	s21 =	sadd.s32 $0x100, s21;
	[sflag:s11] =	ssyncset.done $0x0  }
0x4c: {  	s24 =	sshra.s32 s23, $0x2;
	[sflag:s11] =	ssyncadd.s32 $0xFFFFF800  }
0x4d: {  	[tilespmem:s14], [sflag:$0x1] =	stream.indirect.gather [hbm4b:s3+s13], $0x20, s24, s13, $0xb8;
	[tilespmem:$0x6F00] =	vst v63  }
0x4e: {  	_ = 	snop  }
0x4f: {  	[tilespmem:s15], [sflag:$0x2] =	stream.indirect.gather [hbm4b:s4+s13], $0x10, s24, s13, $0xb8;
	[tilespmem:$0x6F00] =	vst v63  }
0x50: {  	s24 =	sadd.s32 $0x2780, s24  }
0x51: {  	[tilespmem:s16], [sflag:$0x3] =	stream.indirect.gather [hbm4b:s4+s13], $0x10, s24, s13, $0xb8;
	[tilespmem:$0x6F00] =	vst v63  }
0x52: {  	_ =	swait.ge [sflag:s17], $0x1000  }
0x53: {  	[sflag:s17] =	ssyncset.done $0x0  }
0x54: {  	[sflag:s17] =	ssyncadd.s32 $0xFFFFF000  }
0x55: {  	_ =	swait.ge [sflag:s18], $0x800  }
0x56: {  	[sflag:s18] =	ssyncset.done $0x0  }
0x57: {  	[sflag:s18] =	ssyncadd.s32 $0xFFFFF800  }
0x58: {  	_ =	swait.ge [sflag:s19], $0x800  }
0x59: {  	[sflag:s19] =	ssyncset.done $0x0  }
0x5a: {  	s31 =	sadd.s32 s23, s10;
	[sflag:s19] =	ssyncadd.s32 $0xFFFFF800  }
0x5b: {  	[hbm4b:s31+s2] =	stream.linear.scatter [tilespmem:s14], [sflag:$0x4], $0x1000, $0x38;
	[tilespmem:$0x6F00] =	vst v63  }
0x5c: {  	_ =	swait.ge [sflag:s11], $0x1000  }
0x5d: {  	[sflag:s11] =	ssyncset.done $0x0  }
0x5e: {  	[sflag:s11] =	ssyncadd.s32 $0xFFFFF000  }
0x5f: {  	[hbm4b:s22+s2] =	stream.linear.scatter [tilespmem:s15], [sflag:$0x4], $0x800, $0x38;
	[tilespmem:$0x6F00] =	vst v63  }
0x60: {  	s20 =	sadd.s32 $0x1, s20;
	_ =	swait.ge [sflag:s11], $0x800  }
0x61: {  	p0 =	sne.s32 s20, s7;
	[sflag:s11] =	ssyncset.done $0x0  }
.Ltmp1:
0x62: {  	[sflag:s11] =	ssyncadd.s32 $0xFFFFF800;
	(pc) =	sbr.rel @p0 .LBB2_1-.Ltmp1, $4  }
0x63: {  	[hbm4b:s21+s2] =	stream.linear.scatter [tilespmem:s16], [sflag:$0x4], $0x800, $0x38;
	[tilespmem:$0x6F00] =	vst v63  }
0x64: {  	_ =	swait.ge [sflag:s11], $0x800  }
0x65: {  	[sflag:s11] =	ssyncset.done $0x0  }
0x66: {  	[sflag:s11] =	ssyncadd.s32 $0xFFFFF800  }
0x67: {  	_ =	sfence.sel $0x180000  }
0x68: {  	[bflag:$0x0] =	sbarrier.arrive $0xFFFF  }
0x69: {  	p0 =	sne.s32 s0, $0x0;
	_ =	strace $0x9000004D  }
0x6a: {  	s0 =	sadd.s32 @!p0 $0x100000, s1;
	[bflag:$0x2] =	sbarrier.arrive $0xFFFF  }
0x6b: {  	[sflag:s0] =	ssyncadd.tile.s32 @!p0 $0x1;
	_ =	shalt  }
.Lfunc_end2:
_tile_overlayer_lowered:
.L_overlay_start_2:
0x6c: {  	(tag) =	ssettag $0x2  }
0x6d: {  	s0 =	rddreg [dreg:$0x0];
	s2 =	stileid.u32  }
0x6e: {  	s1 =	rddreg [dreg:$0x1];
	p0 =	sne.s32 s2, $0x0  }
0x6f: {  	s3 =	rddreg [dreg:$0x2];
	[bflag:$0x3] =	sbarrier.arrive $0xFFFF;
	s2 =	simm.s32 @!p0 $0x1C04  }
0x70: {  	[timem:s3], [sflag:s2] =	dma.local @!p0 [hbm:s0], s1  }
0x71: {  	s0 =	simm.s32 @!p0 $0x4  }
0x72: {  	_ =	swait.ge @!p0 [sflag:s0], s1  }
0x73: {  	s1 =	ssub.s32 @!p0 $0x0, s1;
	[sflag:s0] =	ssyncset.done @!p0 $0x0  }
0x74: {  	[sflag:s0] =	ssyncadd.s32 @!p0 s1  }
0x75: {  	[bflag:$0x3] =	sbarrier.arrive $0xFFFF  }
0x76: {  	_ =	shalt  }

// kernel: kernel.24.cloned.1.call-start
scs
__scs_entry_jumppad:
0x0: {  	(pc) =	sbr.rel $0x88, $3  }
0x1: {  	(tag) =	ssettag $0x0;
	lr =	simm.s32 $0x1  }
0x2: {  	[smem:$0x3F8E] =	sst lr;
	_ =	strace $0xD0000000  }
0x3: {  	_ = 	snop  }
0x4: {  	_ = 	snop  }
0x5: {  	_ = 	snop  }
0x6: {  	_ = 	snop  }
0x7: {  	_ = 	snop  }
__scs_overlays_trampoline_lowered:
0x8: {  	[smem:$0x3F9D] =	sst s0  }
0x9: {  	[smem:$0x3F9E] =	sst s1  }
0xa: {  	[smem:$0x3F9F] =	sst s2  }
0xb: {  	[smem:$0x3FA0] =	sst s3  }
0xc: {  	[smem:$0x3FA1] =	sst s4  }
0xd: {  	[smem:$0x3FA2] =	sst s5  }
0xe: {  	[smem:$0x3FA3] =	sst s6  }
0xf: {  	[smem:$0x3FA4] =	sst s7  }
0x10: {  	[smem:$0x3FA5] =	sst s8  }
0x11: {  	[smem:$0x3FA6] =	sst s9;
	s0 =	simm.s32 @!p0 $0x0  }
0x12: {  	s1 =	sld [smem:$0x3F8C];
	s0 =	simm.s32 @p0 $0x1  }
0x13: {  	[smem:$0x3FA7] =	sst s0;
	s0 =	simm.s32 @!p1 $0x0  }
0x14: {  	s2 =	sld [smem:$0x3F8B];
	s0 =	simm.s32 @p1 $0x1  }
0x15: {  	[smem:$0x3FA8] =	sst s0;
	s0 =	simm.s32 @!p2 $0x0  }
0x16: {  	s3 =	sld [smem:$0x3FDB];
	s0 =	simm.s32 @p2 $0x1  }
0x17: {  	s4 =	simm.s32 $0x1BF5;
	[smem:$0x3FAA] =	sst s0  }
0x18: {  	s0 =	sld [smem:$0x3F8D];
	_ =	swait.ge [sflag:s4], $0x0  }
0x19: {  	s7 =	sld [smem:$0x3F8E]  }
0x1a: {  	s8 =	sadd.s32 $0xFFFFE003, lr  }
0x1b: {  	s9 =	sadd.s32 $0xFFFFFEF7, lr;
	s5 =	simm.s32 $0xFFFFFFFF;
	p2 =	slt.u32 s8, $0xFFFFF086  }
0x1c: {  	p1 =	slt.u32 s9, $0xF7A;
	s5 =	simm.s32 @!p2 $0x0  }
0x1d: {  	s5 =	simm.s32 @p1 $0x1;
	p0 =	seq.s32 s7, s2  }
0x1e: {  	s7 =	smul.u32 @!p0 $0xF7A, s2;
	p2 =	seq.s32 @!p0 s5, $0x0  }
0x1f: {  	s9 =	smul.u32 $0xF7A, s1;
	s8 =	simm.s32 @!p0 $0x1BF5;
	p2 =	por !p2, p0  }
0x20: {  	[sflag:s8] =	ssyncset.s32 @!p0 $0xFFFFF086;
	s6 =	sadd.s32 @!p0 s3, s7;
	s7 =	simm.s32 @!p0 $0x108  }
0x21: {  	s3 =	sadd.s32 s3, s9;
	s6 =	sadd.s32 @!p0 $0x88, s6;
	s7 =	simm.s32 @p2 $0x1082  }
0x22: {  	[simem:s7], [sflag:s8] =	dma.local @!p0 [hbm:s6], $0xF7A  }
0x23: {  	s9 =	sor.u32 $0xD0000000, s2;
	s6 =	simm.s32 $0x108;
	_ =	swait.ge @!p0 [sflag:s8], $0x0  }
0x24: {  	s3 =	sadd.s32 $0x88, s3;
	s6 =	simm.s32 @!p1 $0x1082;
	[sflag:s4] =	ssyncset.s32 $0xFFFFF086  }
0x25: {  	[simem:s6], [sflag:s4] =	dma.local [hbm:s3], $0xF7A  }
0x26: {  	[smem:$0x3F8E] =	sst s1;
	(tag) =	ssettag s2;
	_ =	strace s9  }
0x27: {  	s1 =	sld [smem:$0x3F9E]  }
0x28: {  	s2 =	sld [smem:$0x3F9F]  }
0x29: {  	s4 =	sld [smem:$0x3FA1]  }
0x2a: {  	p0 =	seq.s32 s5, $0x0;
	s5 =	sld [smem:$0x3FA2]  }
0x2b: {  	s6 =	sld [smem:$0x3FA3]  }
0x2c: {  	s7 =	sld [smem:$0x3FA4]  }
0x2d: {  	s3 =	simm.s32 $0x108;
	s8 =	sld [smem:$0x3FA5]  }
0x2e: {  	s3 =	simm.s32 @!p0 $0x1082;
	s9 =	sld [smem:$0x3FA6]  }
0x2f: {  	lr =	sadd.s32 s0, s3;
	s0 =	sld [smem:$0x3F9D]  }
0x30: {  	s3 =	sld [smem:$0x3FA0]  }
0x31: {  	[smem:$0x3FA9] =	sst s10  }
0x32: {  	s10 =	sld [smem:$0x3FA7];
	_ =	sdelay $0x3  }
0x33: {  	p0 =	seq.s32 s10, $0x1;
	s10 =	sld [smem:$0x3FA9];
	_ =	sdelay $0x3  }
0x34: {  	[smem:$0x3FA9] =	sst s10  }
0x35: {  	s10 =	sld [smem:$0x3FA8];
	_ =	sdelay $0x3  }
0x36: {  	p1 =	seq.s32 s10, $0x1;
	s10 =	sld [smem:$0x3FA9];
	_ =	sdelay $0x3  }
0x37: {  	[smem:$0x3FA9] =	sst s10  }
0x38: {  	s10 =	sld [smem:$0x3FAA]  }
0x39: {  	_ = 	snop;
	(pc) =	sbr.ind lr, $3  }
0x3a: {  	_ = 	snop  }
0x3b: {  	_ = 	snop  }
0x3c: {  	p2 =	seq.s32 s10, $0x1;
	s10 =	sld [smem:$0x3FA9]  }
0x3d: {  	_ =	shalt  }
0x3e: {  	_ =	shalt  }
0x3f: {  	_ =	shalt  }
0x40: {  	_ =	shalt  }
0x41: {  	_ =	shalt  }
0x42: {  	_ =	shalt  }
0x43: {  	_ =	shalt  }
0x44: {  	_ =	shalt  }
0x45: {  	_ =	shalt  }
0x46: {  	_ =	shalt  }
0x47: {  	_ =	shalt  }
0x48: {  	_ =	shalt  }
0x49: {  	_ =	shalt  }
0x4a: {  	_ =	shalt  }
0x4b: {  	_ =	shalt  }
0x4c: {  	_ =	shalt  }
0x4d: {  	_ =	shalt  }
0x4e: {  	_ =	shalt  }
0x4f: {  	_ =	shalt  }
0x50: {  	_ =	shalt  }
0x51: {  	_ =	shalt  }
0x52: {  	_ =	shalt  }
0x53: {  	_ =	shalt  }
0x54: {  	_ =	shalt  }
0x55: {  	_ =	shalt  }
0x56: {  	_ =	shalt  }
0x57: {  	_ =	shalt  }
0x58: {  	_ =	shalt  }
0x59: {  	_ =	shalt  }
0x5a: {  	_ =	shalt  }
0x5b: {  	_ =	shalt  }
0x5c: {  	_ =	shalt  }
0x5d: {  	_ =	shalt  }
0x5e: {  	_ =	shalt  }
0x5f: {  	_ =	shalt  }
0x60: {  	_ =	shalt  }
0x61: {  	_ =	shalt  }
0x62: {  	_ =	shalt  }
0x63: {  	_ =	shalt  }
0x64: {  	_ =	shalt  }
0x65: {  	_ =	shalt  }
0x66: {  	_ =	shalt  }
0x67: {  	_ =	shalt  }
0x68: {  	_ =	shalt  }
0x69: {  	_ =	shalt  }
0x6a: {  	_ =	shalt  }
0x6b: {  	_ =	shalt  }
0x6c: {  	_ =	shalt  }
0x6d: {  	_ =	shalt  }
0x6e: {  	_ =	shalt  }
0x6f: {  	_ =	shalt  }
0x70: {  	_ =	shalt  }
0x71: {  	_ =	shalt  }
0x72: {  	_ =	shalt  }
0x73: {  	_ =	shalt  }
0x74: {  	_ =	shalt  }
0x75: {  	_ =	shalt  }
0x76: {  	_ =	shalt  }
0x77: {  	_ =	shalt  }
0x78: {  	_ =	shalt  }
0x79: {  	_ =	shalt  }
0x7a: {  	_ =	shalt  }
0x7b: {  	_ =	shalt  }
0x7c: {  	_ =	shalt  }
0x7d: {  	_ =	shalt  }
0x7e: {  	_ =	shalt  }
0x7f: {  	_ =	shalt  }
0x80: {  	_ =	shalt  }
0x81: {  	_ =	shalt  }
0x82: {  	_ =	shalt  }
0x83: {  	_ =	shalt  }
0x84: {  	_ =	shalt  }
0x85: {  	_ =	shalt  }
0x86: {  	_ =	shalt  }
0x87: {  	_ =	shalt  }
.Lfunc_end0:
.L_simem_size_0:
called_computation.3_lowered:
.L_overlay_start_0:
0x88: {  	s2 =	sld [smem:$0x3FD9]  }
0x89: {  	s3 =	sld [smem:$0x3FFE];
	_ =	sdelay $0x1  }
0x8a: {  	s1 =	srdreg.scid  }
0x8b: {  	s0 =	sand.u32 $0x1, s1  }
0x8c: {  	s16 =	sshll.u32 s0, $0xA;
	s2 =	sadd.s32 s3, s2  }
0x8d: {  	s2 =	sadd.s32 s2, s16  }
0x8e: {  	[smem:$0x3FB5] =	sst s2  }
0x8f: {  	_ = 	snop  }
0x90: {  	(tm) =	ssettm $0x1  }
0x91: {  	s17 =	sld [smem:$0x3FFB];
	_ =	sdelay $0x3  }
0x92: {  	_ =	strace s17  }
0x93: {  	s2 =	sld [smem:$0x3FFC];
	_ =	sdelay $0x3  }
0x94: {  	_ =	strace s2  }
0x95: {  	s2 =	sld [smem:$0x3FFD];
	_ =	sdelay $0x3  }
0x96: {  	_ =	strace s2  }
0x97: {  	_ =	strace $0x8FFFFFFF  }
0x98: {  	s18 =	sld [smem:$0x3FDB];
	_ =	sdelay $0x1  }
0x99: {  	s19 =	simm.s32 $_scs_section_size  }
0x9a: {  	s4 =	simm.s32 $_size__tile_overlayer_lowered;
	s5 =	simm.s32 $_tile_overlayer_lowered  }
0x9b: {  	s22 =	simm.s32 $0x1BFF;
	s21 =	sshll.u32 s5, $0x1;
	s2 =	sadd.s32 s19, s18  }
0x9c: {  	s6 =	simm.s32 $0x0;
	s20 =	sshll.u32 s4, $0x1;
	s4 =	sadd.s32 s21, s2  }
0x9d: {  	[timem:s6], [sflag:s22] =	dma.local [hbm:s4], s20  }
0x9e: {  	_ =	swait.ge [sflag:s22], s20  }
0x9f: {  	s3 =	ssub.s32 $0x0, s20;
	[sflag:s22] =	ssyncset.done $0x0  }
0xa0: {  	[sflag:s22] =	ssyncadd.s32 s3;
	_ =	sdelay $0x1  }
0xa1: {  	s23 =	simm.s32 $0x1B8B  }
0xa2: {  	_ =	swait.ge [sflag:s23], $0x1  }
0xa3: {  	[sflag:s23] =	ssyncset.done $0x0  }
0xa4: {  	s25 =	simm.s32 $0x1B8E;
	s24 =	sld [smem:$0x3FFE];
	[sflag:s23] =	ssyncadd.s32 $0xFFFFFFFF  }
0xa5: {  	s26 =	simm.s32 $execute0_lowered;
	[smem:$0x3FD2] =	sst s25  }
0xa6: {  	s4 =	sshll.u32 s26, $0x1;
	_ =	strace $0x8000004F;
	[dreg:$0x1] =	wrdreg $0xFFFFFFFF  }
0xa7: {  	s28 =	simm.s32 $_size_execute0_lowered;
	s2 =	sadd.s32 s2, s4;
	[dreg:$0x0] =	wrdreg $0x0  }
0xa8: {  	s4 =	sshll.u32 s28, $0x1;
	[dreg:$0x2] =	wrdreg s2  }
0xa9: {  	[dreg:$0x3] =	wrdreg s4  }
0xaa: {  	[dreg:$0x4] =	wrdreg $0xC0  }
0xab: {  	_ =	task [dreg:s6], $0x5FFFF  }
0xac: {  	[dreg:$0x1] =	wrdreg $0xFFFFFFFF  }
0xad: {  	[dreg:$0x0] =	wrdreg $0x60  }
0xae: {  	[dreg:$0x2] =	wrdreg s24  }
0xaf: {  	[dreg:$0x3] =	wrdreg $0x6F800  }
0xb0: {  	[dreg:$0x4] =	wrdreg $0x9  }
0xb1: {  	_ =	task.clear_ibuf [dreg:s6], $0x5FFFF;
	_ =	strace $0x9000004F  }
0xb2: {  	s29 =	simm.s32 $0x9;
	_ =	strace $0x80000051  }
0xb3: {  	_ =	swait.ge [sflag:s29], $0x1  }
0xb4: {  	[sflag:s29] =	ssyncadd.s32 $0xFFFFFFFF  }
0xb5: {  	_ =	strace $0x90000051  }
0xb6: {  	_ =	sfence  }
0xb7: {  	s30 =	sld [smem:$0x0];
	_ =	sdelay $0x2  }
0xb8: {  	s31 =	sshll.u32 s1, $0xD;
	s1 =	sshrl.u32 s1, $0x2  }
0xb9: {  	s3 =	sand.u32 $0x4000, s31;
	s1 =	sadd.s32 s1, s30  }
0xba: {  	s0 =	sor.u32 s3, s0;
	s1 =	sshll.u32 s1, $0x11  }
0xbb: {  	s0 =	sor.u32 s1, s0  }
0xbc: {  	s0 =	sadd.s32 $0x8F2B, s0  }
0xbd: {  	[sflag:s0] =	ssyncadd.remote.s32 $0x1  }
0xbe: {  	_ =	sfence.sel $0xFFFF  }
0xbf: {  	[dreg:$0x0] =	wrdreg $0xFFFFFFFF;
	(pc) =	sbr.abs _section_cstart, $3  }
0xc0: {  	[dreg:$0x1] =	wrdreg $0xFFFFFFFF  }
0xc1: {  	_ =	task.clear_ibuf [dreg:s6], $0x2FFFF;
	_ =	strace $0x9FFFFFFF  }
0xc2: {  	(tm) =	ssettm $0x7FFFFFFF  }
0xc3: {  	_ =	shalt  }
tec
execute0_lowered:
.L_overlay_start_1:
0x0: {  	(tag) =	ssettag $0x1  }
0x1: {  	s0 =	stileid.u32  }
0x2: {  	s1 =	srdreg.scid;
	s5 =	rddreg [dreg:$0x0]  }
0x3: {  	s2 =	rddreg [dreg:$0x1];
	s6 =	smul.u32 $0x58E00, s0  }
0x4: {  	s3 =	simm.s32 $0x0;
	s4 =	sand.u32 $0x1, s1;
	s8 =	smul.u32 $0x16800, s0  }
0x5: {  	s14 =	simm.s32 $0x0;
	s24 =	sshll.u32 s0, $0x1;
	s9 =	smul.u32 $0x168000, s4  }
0x6: {  	[smem:$0x7FF] =	sst s3;
	s1 =	sor.u32 s4, s24;
	s13 =	smul.u32 $0x2C700, s4  }
0x7: {  	s30 =	sshll.u32 s0, $0x6;
	s28 =	ssub.s32 $0x2, s4;
	s7 =	smul.u32 $0x2780, s1  }
0x8: {  	s1 =	rddreg [dreg:$0x2];
	_ =	strace $0x80000050;
	s10 =	sadd.s32 s6, s5  }
0x9: {  	s11 =	sshrl.u32 s8, $0x3;
	s12 =	sshrl.u32 s28, $0x1;
	s29 =	sadd.s32 s8, s2  }
0xa: {  	s26 =	sadd.s32 s8, s9;
	s11 =	sadd.s32 s11, s5;
	s9 =	ssub.s32 s28, s12  }
0xb: {  	s31 =	sadd.s32 s13, s10;
	s10 =	sshrl.u32 s29, $0x3;
	s12 =	simm.s32 $0x2780  }
0xc: {  	s13 =	simm.s32 $0x80;
	s25 =	sshrl.u32 s7, $0x3;
	s7 =	sshrl.u32 s26, $0x3  }
0xd: {  	s4 =	sadd.s32 $0x2C200, s11;
	s8 =	smax.u32 s9, $0x1;
	s9 =	sadd.s32 $0x2A5200, s31  }
0xe: {  	s11 =	simm.s32 $0x1;
	s6 =	sadd.s32 s25, s5;
	s7 =	sadd.s32 s7, s5  }
0xf: {  	s5 =	sor.u32 $0x1C01, s30;
	s6 =	sadd.s32 $0x13600, s6;
	s7 =	sadd.s32 $0x80400, s7  }
.LBB2_1:
0x10: {  	[spmem:s10], [sflag:s5] =	dma.local [hbm:s4], $0x2D00  }
0x11: {  	_ =	swait.ge [sflag:s11], $0x2D00  }
0x12: {  	[sflag:s11] =	ssyncset.done $0x0  }
0x13: {  	[sflag:s11] =	ssyncadd.s32 $0xFFFFD300  }
0x14: {  	[tilespmem:s3], [sflag:$0x1] =	stream.linear.gather [hbm4b:s6+s3], $0x2780, $0x38;
	[tilespmem:$0x1D780] =	vst v63  }
0x15: {  	_ =	swait.ge [sflag:s11], $0x2780  }
0x16: {  	[sflag:s11] =	ssyncset.done $0x0  }
0x17: {  	[sflag:s11] =	ssyncadd.s32 $0xFFFFD880  }
0x18: {  	[bflag:$0x0] =	sbarrier.arrive $0xFFFF  }
0x19: {  	[tilespmem:s12], [sflag:$0x1] =	stream.linear.gather [hbm4b:s9+s3], $0x4800, $0x38;
	[tilespmem:$0x1D780] =	vst v63  }
0x1a: {  	_ =	swait.ge [sflag:s11], $0x4800  }
0x1b: {  	[sflag:s11] =	ssyncset.done $0x0  }
0x1c: {  	s15 =	simm.s32 $0x0;
	[sflag:s11] =	ssyncadd.s32 $0xFFFFB800  }
0x1d: {  	[spmem:s2] =	stream.indirect.scatter.add.f32 [tilespmem:s12], [sflag:$0x1], $0x90, s15, s13, $0xb8;
	[tilespmem:$0x1D780] =	vst v63  }
0x1e: {  	_ =	swait.ge [sflag:s11], $0x4800  }
0x1f: {  	s16 =	smov.u32 s9;
	s15 =	simm.s32 $0x200;
	[sflag:s11] =	ssyncset.done $0x0  }
.LBB2_2:
0x20: {  	p0 =	sne.s32 s15, $0x9C00;
	[sflag:s11] =	ssyncadd.s32 $0xFFFFB800;
	s16 =	sadd.s32 $0x900, s16  }
0x21: {  	[tilespmem:s12], [sflag:$0x1] =	stream.linear.gather [hbm4b:s16+s3], $0x4800, $0x38;
	[tilespmem:$0x1D780] =	vst v63  }
0x22: {  	s17 =	smov.u32 s15;
	s15 =	sadd.s32 $0x200, s15;
	_ =	swait.ge [sflag:s11], $0x4800  }
.Ltmp0:
0x23: {  	[sflag:s11] =	ssyncset.done $0x0;
	(pc) =	sbr.rel @p0 .LBB2_2-.Ltmp0, $4  }
0x24: {  	s17 =	sshra.s32 s17, $0x2;
	[sflag:s11] =	ssyncadd.s32 $0xFFFFB800  }
0x25: {  	[spmem:s2] =	stream.indirect.scatter.add.f32 [tilespmem:s12], [sflag:$0x1], $0x90, s17, s13, $0xb8;
	[tilespmem:$0x1D780] =	vst v63  }
0x26: {  	_ =	swait.ge [sflag:s11], $0x4800  }
0x27: {  	[sflag:s11] =	ssyncset.done $0x0  }
0x28: {  	s14 =	sadd.s32 $0x1, s14  }
0x29: {  	[sflag:s11] =	ssyncadd.s32 $0xFFFFB800;
	p0 =	sne.s32 s14, s8  }
.Ltmp1:
0x2a: {  	[bflag:$0x0] =	sbarrier.arrive $0xFFFF;
	(pc) =	sbr.rel @p0 .LBB2_1-.Ltmp1, $4  }
0x2b: {  	[hbm:s7], [sflag:s5] =	dma.local [spmem:s10], $0x2D00  }
0x2c: {  	_ =	swait.ge [sflag:s11], $0x2D00  }
0x2d: {  	[sflag:s11] =	ssyncset.done $0x0  }
0x2e: {  	[sflag:s11] =	ssyncadd.s32 $0xFFFFD300  }
0x2f: {  	_ =	sfence.sel $0x180000  }
0x30: {  	[bflag:$0x0] =	sbarrier.arrive $0xFFFF  }
0x31: {  	p0 =	sne.s32 s0, $0x0;
	_ =	strace $0x90000050  }
0x32: {  	s0 =	sadd.s32 @!p0 $0x100000, s1;
	[bflag:$0x2] =	sbarrier.arrive $0xFFFF  }
0x33: {  	[sflag:s0] =	ssyncadd.tile.s32 @!p0 $0x1;
	_ =	shalt  }
.Lfunc_end2:
_tile_overlayer_lowered:
.L_overlay_start_2:
0x34: {  	(tag) =	ssettag $0x2  }
0x35: {  	s0 =	rddreg [dreg:$0x0];
	s2 =	stileid.u32  }
0x36: {  	s1 =	rddreg [dreg:$0x1];
	p0 =	sne.s32 s2, $0x0  }
0x37: {  	s3 =	rddreg [dreg:$0x2];
	[bflag:$0x3] =	sbarrier.arrive $0xFFFF;
	s2 =	simm.s32 @!p0 $0x1C01  }
0x38: {  	[timem:s3], [sflag:s2] =	dma.local @!p0 [hbm:s0], s1  }
0x39: {  	s0 =	simm.s32 @!p0 $0x1  }
0x3a: {  	_ =	swait.ge @!p0 [sflag:s0], s1  }
0x3b: {  	s1 =	ssub.s32 @!p0 $0x0, s1;
	[sflag:s0] =	ssyncset.done @!p0 $0x0  }
0x3c: {  	[sflag:s0] =	ssyncadd.s32 @!p0 s1  }
0x3d: {  	[bflag:$0x3] =	sbarrier.arrive $0xFFFF  }
0x3e: {  	_ =	shalt  }

</sc_bundles>
